<compile_context>
chip_gen: v7x
topology: tpu7x:2x2x1
jax: 0.10.2.dev20260603
libtpu: 0.0.44.dev20260713+nightly
codegen_flags: <defaults>
</compile_context>

<pallas_src>
import functools

import jax
import jax.numpy as jnp
from jax import lax
from jax.experimental import pallas as pl
from jax.experimental.pallas import tpu as pltpu
from jax.experimental.pallas import tpu_sc as plsc

N = 10000
E = 160000
D = 256
HALF = 128

NC = 2
NS = 16
CHUNK = 128
CHUNKS = 80
EPT = CHUNK * CHUNKS
E_PAD = EPT * NS
ACC_ROWS = 10240
ZROWS = ACC_ROWS // NS
CNT_W = 10240
ROWS_OUT = ACC_ROWS // NS
NGRP = CHUNK // 16


def _sc_body(x2_hbm, ci_hbm, out_hbm, cnt_hbm,
             acc, ci_v, gx_v, rows_v, cnt_v,
             sem_g0, sem_g1, sem_i0, sem_i1):
    c = lax.axis_index("c")
    s = lax.axis_index("s")
    cbase = s * CHUNKS

    z16 = jnp.zeros((16,), jnp.float32)

    def zrow_body(r, carry):
        for bi in range(2):
            for k in range(NGRP):
                rows_v[bi, r, pl.ds(k * 16, 16)] = z16
        return carry

    lax.fori_loop(0, CHUNK, zrow_body, 0)

    def zcnt_body(t, carry):
        cnt_v[pl.ds(t * 16, 16)] = z16
        return carry

    lax.fori_loop(0, CNT_W // 16, zcnt_body, 0)

    for i in range(ZROWS // CHUNK):
        pltpu.sync_copy(rows_v.at[0],
                        acc.at[pl.ds(s * ZROWS + i * CHUNK, CHUNK)])

    plsc.subcore_barrier()

    ones = jnp.ones((16,), jnp.float32)

    def fill_gx(slot, buf):
        for k in range(NGRP):
            v = ci_v[slot, 0, pl.ds(k * 16, 16)]
            gx_v[buf, pl.ds(k * 16, 16)] = v * 2 + c

    def start_gather(buf, sem):
        pltpu.async_copy(x2_hbm.at[gx_v.at[buf]], rows_v.at[buf], sem)

    pltpu.sync_copy(ci_hbm.at[pl.ds(cbase, 2)], ci_v.at[pl.ds(0, 2)])
    pltpu.async_copy(ci_hbm.at[pl.ds(cbase + 2, 1)], ci_v.at[pl.ds(2, 1)],
                     sem_i0)
    pltpu.async_copy(ci_hbm.at[pl.ds(cbase + 3, 1)], ci_v.at[pl.ds(3, 1)],
                     sem_i1)
    fill_gx(0, 0)
    start_gather(0, sem_g0)
    fill_gx(1, 1)
    start_gather(1, sem_g1)

    def chunk_body(j, carry):
        b = j % 2
        q = j % 4
        q2 = (j + 2) % 4

        def on_parity(b_, sg, si):
            pltpu.make_async_copy(x2_hbm.at[gx_v.at[b_]], rows_v.at[b_],
                                  sg).wait()
            pltpu.sync_copy(rows_v.at[b_], acc.at[ci_v.at[q, 1]], add=True)

            @pl.when(j + 2 < CHUNKS)
            def _():
                pltpu.make_async_copy(
                    ci_hbm.at[pl.ds(cbase + j + 2, 1)],
                    ci_v.at[pl.ds(q2, 1)], si).wait()
                fill_gx(q2, b_)
                start_gather(b_, sg)

            @pl.when(j + 4 < CHUNKS)
            def _():
                pltpu.async_copy(ci_hbm.at[pl.ds(cbase + j + 4, 1)],
                                 ci_v.at[pl.ds(q, 1)], si)

        for k in range(NGRP):
            cidx = ci_v[q, 1, pl.ds(k * 16, 16)]
            plsc.addupdate_scatter(cnt_v, [cidx], ones)

        @pl.when(b == 0)
        def _():
            on_parity(0, sem_g0, sem_i0)

        @pl.when(b == 1)
        def _():
            on_parity(1, sem_g1, sem_i1)

        return carry

    lax.fori_loop(0, CHUNKS, chunk_body, 0)

    @pl.when(c == 0)
    def _():
        pltpu.sync_copy(cnt_v, cnt_hbm.at[s])

    plsc.subcore_barrier()

    rbase = s * ROWS_OUT
    pltpu.sync_copy(acc.at[pl.ds(rbase, ROWS_OUT)],
                    out_hbm.at[pl.ds(c * ACC_ROWS + rbase, ROWS_OUT)])


_sc_aggregate = functools.partial(
    pl.kernel,
    out_type=(
        jax.ShapeDtypeStruct((2 * ACC_ROWS, HALF), jnp.float32),
        jax.ShapeDtypeStruct((NS, CNT_W), jnp.float32),
    ),
    mesh=plsc.VectorSubcoreMesh(core_axis_name="c", subcore_axis_name="s"),
    compiler_params=pltpu.CompilerParams(needs_layout_passes=False),
    scratch_types=[
        pltpu.VMEM_SHARED((ACC_ROWS, HALF), jnp.float32),
        pltpu.VMEM((4, 2, CHUNK), jnp.int32),
        pltpu.VMEM((2, CHUNK), jnp.int32),
        pltpu.VMEM((2, CHUNK, HALF), jnp.float32),
        pltpu.VMEM((CNT_W,), jnp.float32),
        pltpu.SemaphoreType.DMA,
        pltpu.SemaphoreType.DMA,
        pltpu.SemaphoreType.DMA,
        pltpu.SemaphoreType.DMA,
    ],
)(_sc_body)


def _epi_body(cnt_ref, s0_ref, s1_ref, x_ref, wl_ref, bl_ref, wr_ref,
              wo_ref, bo_ref, o_ref):
    dn = (((1,), (1,)), ((), ()))
    cnt = jnp.sum(cnt_ref[...], axis=0)
    inv = 1.0 / jnp.maximum(cnt, 1.0)
    m0 = (s0_ref[...] * inv[:, None]).astype(jnp.bfloat16)
    m1 = (s1_ref[...] * inv[:, None]).astype(jnp.bfloat16)
    wl = wl_ref[...].astype(jnp.bfloat16)
    h = lax.dot_general(m0, wl[:, :HALF], dn, preferred_element_type=jnp.float32)
    h = h + lax.dot_general(m1, wl[:, HALF:], dn, preferred_element_type=jnp.float32)
    h = h + lax.dot_general(x_ref[...].astype(jnp.bfloat16),
                            wr_ref[...].astype(jnp.bfloat16), dn,
                            preferred_element_type=jnp.float32)
    h = h + bl_ref[...]
    h = jnp.where(h > 0, h, jnp.exp(h) - 1.0)
    o = lax.dot_general(h.astype(jnp.bfloat16),
                        wo_ref[...].astype(jnp.bfloat16), dn,
                        preferred_element_type=jnp.float32)
    o_ref[...] = o + bo_ref[...]


BLK = 512
GRID = (N + BLK - 1) // BLK


def _epilogue(cnt16, summed2, x, W_l, b_l, W_r, W_out, b_out):
    return pl.pallas_call(
        _epi_body,
        grid=(GRID,),
        in_specs=[
            pl.BlockSpec((NS, BLK), lambda i: (0, i)),
            pl.BlockSpec((BLK, HALF), lambda i: (i, 0)),
            pl.BlockSpec((BLK, HALF), lambda i: (i + GRID, 0)),
            pl.BlockSpec((BLK, D), lambda i: (i, 0)),
            pl.BlockSpec((D, D), lambda i: (0, 0)),
            pl.BlockSpec((1, D), lambda i: (0, 0)),
            pl.BlockSpec((D, D), lambda i: (0, 0)),
            pl.BlockSpec((D, D), lambda i: (0, 0)),
            pl.BlockSpec((1, D), lambda i: (0, 0)),
        ],
        out_specs=pl.BlockSpec((BLK, D), lambda i: (i, 0)),
        out_shape=jax.ShapeDtypeStruct((N, D), jnp.float32),
    )(cnt16, summed2, summed2, x, W_l, b_l, W_r, W_out, b_out)


@jax.jit
def kernel(x, edge_index, W_l, b_l, W_r, W_out, b_out):
    src = edge_index[0]
    dst = edge_index[1]
    pad = E_PAD - E
    src_p = jnp.concatenate([src, jnp.arange(pad, dtype=jnp.int32)])
    dst_p = jnp.concatenate([dst, jnp.full((pad,), N, jnp.int32)])
    ci = jnp.stack([src_p.reshape(-1, CHUNK), dst_p.reshape(-1, CHUNK)],
                   axis=1)
    x2 = x.reshape(2 * N, HALF)

    summed2, cnt16 = _sc_aggregate(x2, ci)
    return _epilogue(cnt16, summed2, x, W_l,
                     b_l.reshape(1, D), W_r, W_out, b_out.reshape(1, D))

# --- scband reference (transcript-rebuilt; emitter-appended) ---
"""Pipeline reference for scband-graph-sagenet-40037685133532 (READ-ONLY COPY).

The authoritative reference and input builder live on the scoring server;
editing this copy changes nothing except your own understanding.
"""

import jax, jax.numpy as jnp
import numpy as np

N = 10000
E = 160000
D_IN = 256
D_HID = 256
D_OUT = 256


def setup_inputs(seed: int = 0) -> dict:
    key = jax.random.key(seed)
    ks = jax.random.split(key, 8)
    x = jax.random.normal(ks[0], (N, D_IN), dtype=jnp.float32)
    edge_index = jax.random.randint(ks[1], (2, E), 0, N)
    s_in = 1.0 / np.sqrt(D_IN)
    s_hid = 1.0 / np.sqrt(D_HID)
    # PyG SAGEConv (mean aggr): out = lin_l(mean_agg(x_j)) + lin_r(x_i); lin_l has bias, lin_r does not
    W_l = jax.random.uniform(ks[2], (D_HID, D_IN), jnp.float32, -s_in, s_in)
    b_l = jax.random.uniform(ks[3], (D_HID,), jnp.float32, -s_in, s_in)
    W_r = jax.random.uniform(ks[4], (D_HID, D_IN), jnp.float32, -s_in, s_in)
    W_out = jax.random.uniform(ks[5], (D_OUT, D_HID), jnp.float32, -s_hid, s_hid)
    b_out = jax.random.uniform(ks[6], (D_OUT,), jnp.float32, -s_hid, s_hid)
    return {"x": x, "edge_index": edge_index, "W_l": W_l, "b_l": b_l, "W_r": W_r, "W_out": W_out, "b_out": b_out}


def reference(x, edge_index, W_l, b_l, W_r, W_out, b_out):
    src = edge_index[0]
    dst = edge_index[1]
    # message: gather source node features
    msgs = jnp.take(x, src, axis=0)
    # mean aggregation at destination nodes
    summed = jax.ops.segment_sum(msgs, dst, num_segments=N)
    count = jax.ops.segment_sum(jnp.ones((E,), dtype=x.dtype), dst, num_segments=N)
    mean_agg = summed / jnp.clip(count, 1.0, None)[:, None]
    # SAGEConv: lin_l(agg) + lin_r(x)
    h = mean_agg @ W_l.T + b_l + x @ W_r.T
    h = jax.nn.elu(h)
    out = h @ W_out.T + b_out
    return out

if __name__ == "__main__":
    import jax
    _d = setup_inputs()
    print(jax.jit(kernel)(*tuple(_d.values())))

</pallas_src>

<mosaic_0001>
#map = affine_map<(d0, d1) -> (0, 0)>
#map1 = affine_map<(d0, d1) -> (0, 0, 0)>
module attributes {stable_mosaic.version = 14 : i64} {
  func.func @_sc_body(%arg0: i32, %arg1: i32, %arg2: memref<20000x128xf32, #tpu.memory_space<hbm>>, %arg3: memref<1280x2x128xi32, #tpu.memory_space<hbm>>, %arg4: memref<20480x128xf32, #tpu.memory_space<hbm>>, %arg5: memref<16x10240xf32, #tpu.memory_space<hbm>>, %arg6: memref<10240x128xf32, #tpu.memory_space<vmem_shared>>, %arg7: memref<4x2x128xi32, #tpu.memory_space<vmem>>, %arg8: memref<2x128xi32, #tpu.memory_space<vmem>>, %arg9: memref<2x128x128xf32, #tpu.memory_space<vmem>>, %arg10: memref<10240xf32, #tpu.memory_space<vmem>>, %arg11: memref<!tpu.dma_semaphore, #tpu.memory_space<semaphore_mem>>, %arg12: memref<!tpu.dma_semaphore, #tpu.memory_space<semaphore_mem>>, %arg13: memref<!tpu.dma_semaphore, #tpu.memory_space<semaphore_mem>>, %arg14: memref<!tpu.dma_semaphore, #tpu.memory_space<semaphore_mem>>) attributes {dimension_semantics = [#tpu.dimension_semantics<core_parallel>, #tpu.dimension_semantics<subcore_parallel>], iteration_bounds = array<i64: 2, 16>, scalar_prefetch = 0 : i64, scratch_operands = 9 : i64, tpu.core_type = #tpu.core_type<sc_vector_subcore>, window_params = [{transform_indices = #map}, {transform_indices = #map1}, {transform_indices = #map}, {transform_indices = #map}]} {
    %mul3A = arith.constant 80 : i32
    %mul3A_0 = arith.muli %arg1, %mul3A : i32
    %broadcast_in_dim3A = arith.constant 0.000000e+00 : f32
    %broadcast_in_dim3A_1 = vector.broadcast %broadcast_in_dim3A : f32 to vector<16xf32>
    %scan3A = arith.constant 0 : i32
    %scan3A_2 = arith.constant 0 : i32
    %scan3A_3 = arith.constant 128 : i32
    %scan3A_4 = arith.addi %scan3A_2, %scan3A_3 : i32
    %scan3A_5 = arith.constant 1 : i32
    scf.for %scan3A_345 = %scan3A_2 to %scan3A_4 step %scan3A_5  : i32 {
      %swap3A_346 = arith.constant 0 : i32
      %swap3A_347 = arith.index_cast %swap3A_346 : i32 to index
      %swap3A_348 = arith.index_cast %scan3A_345 : i32 to index
      %swap3A_349 = arith.constant 0 : index
      %swap3A_350 = tpu.vector_load %arg9[%swap3A_347, %swap3A_348, %swap3A_349] {strides = array<i32>} : memref<2x128x128xf32, #tpu.memory_space<vmem>>, vector<16xf32>,
      tpu.vector_store %arg9[%swap3A_347, %swap3A_348, %swap3A_349], %broadcast_in_dim3A_1 {strides = array<i32>} : memref<2x128x128xf32, #tpu.memory_space<vmem>>, vector<16xf32>,
      %swap3A_351 = arith.constant 0 : i32
      %swap3A_352 = arith.index_cast %swap3A_351 : i32 to index
      %swap3A_353 = arith.index_cast %scan3A_345 : i32 to index
      %swap3A_354 = arith.constant 16 : index
      %swap3A_355 = tpu.vector_load %arg9[%swap3A_352, %swap3A_353, %swap3A_354] {strides = array<i32>} : memref<2x128x128xf32, #tpu.memory_space<vmem>>, vector<16xf32>,
      tpu.vector_store %arg9[%swap3A_352, %swap3A_353, %swap3A_354], %broadcast_in_dim3A_1 {strides = array<i32>} : memref<2x128x128xf32, #tpu.memory_space<vmem>>, vector<16xf32>,
      %swap3A_356 = arith.constant 0 : i32
      %swap3A_357 = arith.index_cast %swap3A_356 : i32 to index
      %swap3A_358 = arith.index_cast %scan3A_345 : i32 to index
      %swap3A_359 = arith.constant 32 : index
      %swap3A_360 = tpu.vector_load %arg9[%swap3A_357, %swap3A_358, %swap3A_359] {strides = array<i32>} : memref<2x128x128xf32, #tpu.memory_space<vmem>>, vector<16xf32>,
      tpu.vector_store %arg9[%swap3A_357, %swap3A_358, %swap3A_359], %broadcast_in_dim3A_1 {strides = array<i32>} : memref<2x128x128xf32, #tpu.memory_space<vmem>>, vector<16xf32>,
      %swap3A_361 = arith.constant 0 : i32
      %swap3A_362 = arith.index_cast %swap3A_361 : i32 to index
      %swap3A_363 = arith.index_cast %scan3A_345 : i32 to index
      %swap3A_364 = arith.constant 48 : index
      %swap3A_365 = tpu.vector_load %arg9[%swap3A_362, %swap3A_363, %swap3A_364] {strides = array<i32>} : memref<2x128x128xf32, #tpu.memory_space<vmem>>, vector<16xf32>,
      tpu.vector_store %arg9[%swap3A_362, %swap3A_363, %swap3A_364], %broadcast_in_dim3A_1 {strides = array<i32>} : memref<2x128x128xf32, #tpu.memory_space<vmem>>, vector<16xf32>,
      %swap3A_366 = arith.constant 0 : i32
      %swap3A_367 = arith.index_cast %swap3A_366 : i32 to index
      %swap3A_368 = arith.index_cast %scan3A_345 : i32 to index
      %swap3A_369 = arith.constant 64 : index
      %swap3A_370 = tpu.vector_load %arg9[%swap3A_367, %swap3A_368, %swap3A_369] {strides = array<i32>} : memref<2x128x128xf32, #tpu.memory_space<vmem>>, vector<16xf32>,
      tpu.vector_store %arg9[%swap3A_367, %swap3A_368, %swap3A_369], %broadcast_in_dim3A_1 {strides = array<i32>} : memref<2x128x128xf32, #tpu.memory_space<vmem>>, vector<16xf32>,
      %swap3A_371 = arith.constant 0 : i32
      %swap3A_372 = arith.index_cast %swap3A_371 : i32 to index
      %swap3A_373 = arith.index_cast %scan3A_345 : i32 to index
      %swap3A_374 = arith.constant 80 : index
      %swap3A_375 = tpu.vector_load %arg9[%swap3A_372, %swap3A_373, %swap3A_374] {strides = array<i32>} : memref<2x128x128xf32, #tpu.memory_space<vmem>>, vector<16xf32>,
      tpu.vector_store %arg9[%swap3A_372, %swap3A_373, %swap3A_374], %broadcast_in_dim3A_1 {strides = array<i32>} : memref<2x128x128xf32, #tpu.memory_space<vmem>>, vector<16xf32>,
      %swap3A_376 = arith.constant 0 : i32
      %swap3A_377 = arith.index_cast %swap3A_376 : i32 to index
      %swap3A_378 = arith.index_cast %scan3A_345 : i32 to index
      %swap3A_379 = arith.constant 96 : index
      %swap3A_380 = tpu.vector_load %arg9[%swap3A_377, %swap3A_378, %swap3A_379] {strides = array<i32>} : memref<2x128x128xf32, #tpu.memory_space<vmem>>, vector<16xf32>,
      tpu.vector_store %arg9[%swap3A_377, %swap3A_378, %swap3A_379], %broadcast_in_dim3A_1 {strides = array<i32>} : memref<2x128x128xf32, #tpu.memory_space<vmem>>, vector<16xf32>,
      %swap3A_381 = arith.constant 0 : i32
      %swap3A_382 = arith.index_cast %swap3A_381 : i32 to index
      %swap3A_383 = arith.index_cast %scan3A_345 : i32 to index
      %swap3A_384 = arith.constant 112 : index
      %swap3A_385 = tpu.vector_load %arg9[%swap3A_382, %swap3A_383, %swap3A_384] {strides = array<i32>} : memref<2x128x128xf32, #tpu.memory_space<vmem>>, vector<16xf32>,
      tpu.vector_store %arg9[%swap3A_382, %swap3A_383, %swap3A_384], %broadcast_in_dim3A_1 {strides = array<i32>} : memref<2x128x128xf32, #tpu.memory_space<vmem>>, vector<16xf32>,
      %swap3A_386 = arith.constant 1 : i32
      %swap3A_387 = arith.index_cast %swap3A_386 : i32 to index
      %swap3A_388 = arith.index_cast %scan3A_345 : i32 to index
      %swap3A_389 = arith.constant 0 : index
      %swap3A_390 = tpu.vector_load %arg9[%swap3A_387, %swap3A_388, %swap3A_389] {strides = array<i32>} : memref<2x128x128xf32, #tpu.memory_space<vmem>>, vector<16xf32>,
      tpu.vector_store %arg9[%swap3A_387, %swap3A_388, %swap3A_389], %broadcast_in_dim3A_1 {strides = array<i32>} : memref<2x128x128xf32, #tpu.memory_space<vmem>>, vector<16xf32>,
      %swap3A_391 = arith.constant 1 : i32
      %swap3A_392 = arith.index_cast %swap3A_391 : i32 to index
      %swap3A_393 = arith.index_cast %scan3A_345 : i32 to index
      %swap3A_394 = arith.constant 16 : index
      %swap3A_395 = tpu.vector_load %arg9[%swap3A_392, %swap3A_393, %swap3A_394] {strides = array<i32>} : memref<2x128x128xf32, #tpu.memory_space<vmem>>, vector<16xf32>,
      tpu.vector_store %arg9[%swap3A_392, %swap3A_393, %swap3A_394], %broadcast_in_dim3A_1 {strides = array<i32>} : memref<2x128x128xf32, #tpu.memory_space<vmem>>, vector<16xf32>,
      %swap3A_396 = arith.constant 1 : i32
      %swap3A_397 = arith.index_cast %swap3A_396 : i32 to index
      %swap3A_398 = arith.index_cast %scan3A_345 : i32 to index
      %swap3A_399 = arith.constant 32 : index
      %swap3A_400 = tpu.vector_load %arg9[%swap3A_397, %swap3A_398, %swap3A_399] {strides = array<i32>} : memref<2x128x128xf32, #tpu.memory_space<vmem>>, vector<16xf32>,
      tpu.vector_store %arg9[%swap3A_397, %swap3A_398, %swap3A_399], %broadcast_in_dim3A_1 {strides = array<i32>} : memref<2x128x128xf32, #tpu.memory_space<vmem>>, vector<16xf32>,
      %swap3A_401 = arith.constant 1 : i32
      %swap3A_402 = arith.index_cast %swap3A_401 : i32 to index
      %swap3A_403 = arith.index_cast %scan3A_345 : i32 to index
      %swap3A_404 = arith.constant 48 : index
      %swap3A_405 = tpu.vector_load %arg9[%swap3A_402, %swap3A_403, %swap3A_404] {strides = array<i32>} : memref<2x128x128xf32, #tpu.memory_space<vmem>>, vector<16xf32>,
      tpu.vector_store %arg9[%swap3A_402, %swap3A_403, %swap3A_404], %broadcast_in_dim3A_1 {strides = array<i32>} : memref<2x128x128xf32, #tpu.memory_space<vmem>>, vector<16xf32>,
      %swap3A_406 = arith.constant 1 : i32
      %swap3A_407 = arith.index_cast %swap3A_406 : i32 to index
      %swap3A_408 = arith.index_cast %scan3A_345 : i32 to index
      %swap3A_409 = arith.constant 64 : index
      %swap3A_410 = tpu.vector_load %arg9[%swap3A_407, %swap3A_408, %swap3A_409] {strides = array<i32>} : memref<2x128x128xf32, #tpu.memory_space<vmem>>, vector<16xf32>,
      tpu.vector_store %arg9[%swap3A_407, %swap3A_408, %swap3A_409], %broadcast_in_dim3A_1 {strides = array<i32>} : memref<2x128x128xf32, #tpu.memory_space<vmem>>, vector<16xf32>,
      %swap3A_411 = arith.constant 1 : i32
      %swap3A_412 = arith.index_cast %swap3A_411 : i32 to index
      %swap3A_413 = arith.index_cast %scan3A_345 : i32 to index
      %swap3A_414 = arith.constant 80 : index
      %swap3A_415 = tpu.vector_load %arg9[%swap3A_412, %swap3A_413, %swap3A_414] {strides = array<i32>} : memref<2x128x128xf32, #tpu.memory_space<vmem>>, vector<16xf32>,
      tpu.vector_store %arg9[%swap3A_412, %swap3A_413, %swap3A_414], %broadcast_in_dim3A_1 {strides = array<i32>} : memref<2x128x128xf32, #tpu.memory_space<vmem>>, vector<16xf32>,
      %swap3A_416 = arith.constant 1 : i32
      %swap3A_417 = arith.index_cast %swap3A_416 : i32 to index
      %swap3A_418 = arith.index_cast %scan3A_345 : i32 to index
      %swap3A_419 = arith.constant 96 : index
      %swap3A_420 = tpu.vector_load %arg9[%swap3A_417, %swap3A_418, %swap3A_419] {strides = array<i32>} : memref<2x128x128xf32, #tpu.memory_space<vmem>>, vector<16xf32>,
      tpu.vector_store %arg9[%swap3A_417, %swap3A_418, %swap3A_419], %broadcast_in_dim3A_1 {strides = array<i32>} : memref<2x128x128xf32, #tpu.memory_space<vmem>>, vector<16xf32>,
      %swap3A_421 = arith.constant 1 : i32
      %swap3A_422 = arith.index_cast %swap3A_421 : i32 to index
      %swap3A_423 = arith.index_cast %scan3A_345 : i32 to index
      %swap3A_424 = arith.constant 112 : index
      %swap3A_425 = tpu.vector_load %arg9[%swap3A_422, %swap3A_423, %swap3A_424] {strides = array<i32>} : memref<2x128x128xf32, #tpu.memory_space<vmem>>, vector<16xf32>,
      tpu.vector_store %arg9[%swap3A_422, %swap3A_423, %swap3A_424], %broadcast_in_dim3A_1 {strides = array<i32>} : memref<2x128x128xf32, #tpu.memory_space<vmem>>, vector<16xf32>,
    }
    %scan3A_6 = arith.constant 128 : i32
    %scan3A_7 = arith.constant 0 : i32
    %scan3A_8 = arith.constant 0 : i32
    %scan3A_9 = arith.constant 640 : i32
    %scan3A_10 = arith.addi %scan3A_8, %scan3A_9 : i32
    %scan3A_11 = arith.constant 1 : i32
    scf.for %scan3A_345 = %scan3A_8 to %scan3A_10 step %scan3A_11  : i32 {
      %mul3A_346 = arith.constant 16 : i32
      %mul3A_347 = arith.muli %scan3A_345, %mul3A_346 : i32
      %swap3A_348 = arith.index_cast %mul3A_347 : i32 to index
      %swap3A_349 = tpu.vector_load %arg10[%swap3A_348] {strides = array<i32>} : memref<10240xf32, #tpu.memory_space<vmem>>, vector<16xf32>,
      tpu.vector_store %arg10[%swap3A_348], %broadcast_in_dim3A_1 {strides = array<i32>} : memref<10240xf32, #tpu.memory_space<vmem>>, vector<16xf32>,
    }
    %scan3A_12 = arith.constant 640 : i32
    %mul3A_13 = arith.constant 640 : i32
    %mul3A_14 = arith.muli %arg1, %mul3A_13 : i32
    %add3A = arith.constant 0 : i32
    %add3A_15 = arith.addi %mul3A_14, %add3A : i32
    %run_scoped3A = arith.constant 0 : i32
    "tpu.region"() ({
      %run_scoped3A_345 = tpu.sem_alloc : memref<!tpu.dma_semaphore, #tpu.memory_space<semaphore_mem>>
      %dma_start3A_346 = arith.constant 0 : i32
      %dma_start3A_347 = arith.constant 0 : i32
      %dma_start3A_348 = tpu.memref_slice %arg9[%run_scoped3A, %dma_start3A_346, %dma_start3A_347] : memref<2x128x128xf32, #tpu.memory_space<vmem>> -> memref<1x128x128xf32, #tpu.memory_space<vmem>>
      %dma_start3A_349 = tpu.memref_squeeze %dma_start3A_348 : memref<1x128x128xf32, #tpu.memory_space<vmem>> -> memref<128x128xf32, #tpu.memory_space<vmem>>
      %dma_start3A_350 = arith.constant 0 : i32
      %dma_start3A_351 = tpu.memref_slice %arg6[%add3A_15, %dma_start3A_350] : memref<10240x128xf32, #tpu.memory_space<vmem_shared>> -> memref<128x128xf32, #tpu.memory_space<vmem_shared>>
      %dma_start3A_352 = arith.constant 0 : i32
      %dma_start3A_353 = tpu.memref_slice %arg6[%add3A_15, %dma_start3A_352] : memref<10240x128xf32, #tpu.memory_space<vmem_shared>> -> memref<128x128xf32, #tpu.memory_space<vmem_shared>>
      %dma_start3A_354 = arith.constant 0 : i32
      %dma_start3A_355 = arith.constant 0 : i32
      %dma_start3A_356 = tpu.memref_slice %arg9[%run_scoped3A, %dma_start3A_354, %dma_start3A_355] : memref<2x128x128xf32, #tpu.memory_space<vmem>> -> memref<1x128x128xf32, #tpu.memory_space<vmem>>
      %dma_start3A_357 = tpu.memref_squeeze %dma_start3A_356 : memref<1x128x128xf32, #tpu.memory_space<vmem>> -> memref<128x128xf32, #tpu.memory_space<vmem>>
      tpu.enqueue_dma source(%dma_start3A_357 : memref<128x128xf32, #tpu.memory_space<vmem>>) target(%dma_start3A_353 : memref<128x128xf32, #tpu.memory_space<vmem_shared>>) target_semaphore(%run_scoped3A_345 : memref<!tpu.dma_semaphore, #tpu.memory_space<semaphore_mem>>)
      %dma_wait3A = arith.constant 0 : i32
      %dma_wait3A_358 = arith.constant 0 : i32
      %dma_wait3A_359 = tpu.memref_slice %arg9[%run_scoped3A, %dma_wait3A, %dma_wait3A_358] : memref<2x128x128xf32, #tpu.memory_space<vmem>> -> memref<1x128x128xf32, #tpu.memory_space<vmem>>
      %dma_wait3A_360 = tpu.memref_squeeze %dma_wait3A_359 : memref<1x128x128xf32, #tpu.memory_space<vmem>> -> memref<128x128xf32, #tpu.memory_space<vmem>>
      %dma_wait3A_361 = arith.constant 0 : i32
      %dma_wait3A_362 = tpu.memref_slice %arg6[%add3A_15, %dma_wait3A_361] : memref<10240x128xf32, #tpu.memory_space<vmem_shared>> -> memref<128x128xf32, #tpu.memory_space<vmem_shared>>
      %dma_wait3A_363 = arith.constant 0 : i32
      %dma_wait3A_364 = tpu.memref_slice %arg6[%add3A_15, %dma_wait3A_363] : memref<10240x128xf32, #tpu.memory_space<vmem_shared>> -> memref<128x128xf32, #tpu.memory_space<vmem_shared>>
      %dma_wait3A_365 = arith.constant 0 : i32
      %dma_wait3A_366 = arith.constant 0 : i32
      %dma_wait3A_367 = tpu.memref_slice %arg9[%run_scoped3A, %dma_wait3A_365, %dma_wait3A_366] : memref<2x128x128xf32, #tpu.memory_space<vmem>> -> memref<1x128x128xf32, #tpu.memory_space<vmem>>
      %dma_wait3A_368 = tpu.memref_squeeze %dma_wait3A_367 : memref<1x128x128xf32, #tpu.memory_space<vmem>> -> memref<128x128xf32, #tpu.memory_space<vmem>>
      tpu.wait_dma2 semaphore(%run_scoped3A_345 : memref<!tpu.dma_semaphore, #tpu.memory_space<semaphore_mem>>) src(%dma_wait3A_368 : memref<128x128xf32, #tpu.memory_space<vmem>>) dst(%dma_wait3A_364 : memref<128x128xf32, #tpu.memory_space<vmem_shared>>)
      tpu.yield
    }) : () -> ()
    %mul3A_16 = arith.constant 640 : i32
    %mul3A_17 = arith.muli %arg1, %mul3A_16 : i32
    %add3A_18 = arith.constant 128 : i32
    %add3A_19 = arith.addi %mul3A_17, %add3A_18 : i32
    %run_scoped3A_20 = arith.constant 0 : i32
    "tpu.region"() ({
      %run_scoped3A_345 = tpu.sem_alloc : memref<!tpu.dma_semaphore, #tpu.memory_space<semaphore_mem>>
      %dma_start3A_346 = arith.constant 0 : i32
      %dma_start3A_347 = arith.constant 0 : i32
      %dma_start3A_348 = tpu.memref_slice %arg9[%run_scoped3A_20, %dma_start3A_346, %dma_start3A_347] : memref<2x128x128xf32, #tpu.memory_space<vmem>> -> memref<1x128x128xf32, #tpu.memory_space<vmem>>
      %dma_start3A_349 = tpu.memref_squeeze %dma_start3A_348 : memref<1x128x128xf32, #tpu.memory_space<vmem>> -> memref<128x128xf32, #tpu.memory_space<vmem>>
      %dma_start3A_350 = arith.constant 0 : i32
      %dma_start3A_351 = tpu.memref_slice %arg6[%add3A_19, %dma_start3A_350] : memref<10240x128xf32, #tpu.memory_space<vmem_shared>> -> memref<128x128xf32, #tpu.memory_space<vmem_shared>>
      %dma_start3A_352 = arith.constant 0 : i32
      %dma_start3A_353 = tpu.memref_slice %arg6[%add3A_19, %dma_start3A_352] : memref<10240x128xf32, #tpu.memory_space<vmem_shared>> -> memref<128x128xf32, #tpu.memory_space<vmem_shared>>
      %dma_start3A_354 = arith.constant 0 : i32
      %dma_start3A_355 = arith.constant 0 : i32
      %dma_start3A_356 = tpu.memref_slice %arg9[%run_scoped3A_20, %dma_start3A_354, %dma_start3A_355] : memref<2x128x128xf32, #tpu.memory_space<vmem>> -> memref<1x128x128xf32, #tpu.memory_space<vmem>>
      %dma_start3A_357 = tpu.memref_squeeze %dma_start3A_356 : memref<1x128x128xf32, #tpu.memory_space<vmem>> -> memref<128x128xf32, #tpu.memory_space<vmem>>
      tpu.enqueue_dma source(%dma_start3A_357 : memref<128x128xf32, #tpu.memory_space<vmem>>) target(%dma_start3A_353 : memref<128x128xf32, #tpu.memory_space<vmem_shared>>) target_semaphore(%run_scoped3A_345 : memref<!tpu.dma_semaphore, #tpu.memory_space<semaphore_mem>>)
      %dma_wait3A = arith.constant 0 : i32
      %dma_wait3A_358 = arith.constant 0 : i32
      %dma_wait3A_359 = tpu.memref_slice %arg9[%run_scoped3A_20, %dma_wait3A, %dma_wait3A_358] : memref<2x128x128xf32, #tpu.memory_space<vmem>> -> memref<1x128x128xf32, #tpu.memory_space<vmem>>
      %dma_wait3A_360 = tpu.memref_squeeze %dma_wait3A_359 : memref<1x128x128xf32, #tpu.memory_space<vmem>> -> memref<128x128xf32, #tpu.memory_space<vmem>>
      %dma_wait3A_361 = arith.constant 0 : i32
      %dma_wait3A_362 = tpu.memref_slice %arg6[%add3A_19, %dma_wait3A_361] : memref<10240x128xf32, #tpu.memory_space<vmem_shared>> -> memref<128x128xf32, #tpu.memory_space<vmem_shared>>
      %dma_wait3A_363 = arith.constant 0 : i32
      %dma_wait3A_364 = tpu.memref_slice %arg6[%add3A_19, %dma_wait3A_363] : memref<10240x128xf32, #tpu.memory_space<vmem_shared>> -> memref<128x128xf32, #tpu.memory_space<vmem_shared>>
      %dma_wait3A_365 = arith.constant 0 : i32
      %dma_wait3A_366 = arith.constant 0 : i32
      %dma_wait3A_367 = tpu.memref_slice %arg9[%run_scoped3A_20, %dma_wait3A_365, %dma_wait3A_366] : memref<2x128x128xf32, #tpu.memory_space<vmem>> -> memref<1x128x128xf32, #tpu.memory_space<vmem>>
      %dma_wait3A_368 = tpu.memref_squeeze %dma_wait3A_367 : memref<1x128x128xf32, #tpu.memory_space<vmem>> -> memref<128x128xf32, #tpu.memory_space<vmem>>
      tpu.wait_dma2 semaphore(%run_scoped3A_345 : memref<!tpu.dma_semaphore, #tpu.memory_space<semaphore_mem>>) src(%dma_wait3A_368 : memref<128x128xf32, #tpu.memory_space<vmem>>) dst(%dma_wait3A_364 : memref<128x128xf32, #tpu.memory_space<vmem_shared>>)
      tpu.yield
    }) : () -> ()
    %mul3A_21 = arith.constant 640 : i32
    %mul3A_22 = arith.muli %arg1, %mul3A_21 : i32
    %add3A_23 = arith.constant 256 : i32
    %add3A_24 = arith.addi %mul3A_22, %add3A_23 : i32
    %run_scoped3A_25 = arith.constant 0 : i32
    "tpu.region"() ({
      %run_scoped3A_345 = tpu.sem_alloc : memref<!tpu.dma_semaphore, #tpu.memory_space<semaphore_mem>>
      %dma_start3A_346 = arith.constant 0 : i32
      %dma_start3A_347 = arith.constant 0 : i32
      %dma_start3A_348 = tpu.memref_slice %arg9[%run_scoped3A_25, %dma_start3A_346, %dma_start3A_347] : memref<2x128x128xf32, #tpu.memory_space<vmem>> -> memref<1x128x128xf32, #tpu.memory_space<vmem>>
      %dma_start3A_349 = tpu.memref_squeeze %dma_start3A_348 : memref<1x128x128xf32, #tpu.memory_space<vmem>> -> memref<128x128xf32, #tpu.memory_space<vmem>>
      %dma_start3A_350 = arith.constant 0 : i32
      %dma_start3A_351 = tpu.memref_slice %arg6[%add3A_24, %dma_start3A_350] : memref<10240x128xf32, #tpu.memory_space<vmem_shared>> -> memref<128x128xf32, #tpu.memory_space<vmem_shared>>
      %dma_start3A_352 = arith.constant 0 : i32
      %dma_start3A_353 = tpu.memref_slice %arg6[%add3A_24, %dma_start3A_352] : memref<10240x128xf32, #tpu.memory_space<vmem_shared>> -> memref<128x128xf32, #tpu.memory_space<vmem_shared>>
      %dma_start3A_354 = arith.constant 0 : i32
      %dma_start3A_355 = arith.constant 0 : i32
      %dma_start3A_356 = tpu.memref_slice %arg9[%run_scoped3A_25, %dma_start3A_354, %dma_start3A_355] : memref<2x128x128xf32, #tpu.memory_space<vmem>> -> memref<1x128x128xf32, #tpu.memory_space<vmem>>
      %dma_start3A_357 = tpu.memref_squeeze %dma_start3A_356 : memref<1x128x128xf32, #tpu.memory_space<vmem>> -> memref<128x128xf32, #tpu.memory_space<vmem>>
      tpu.enqueue_dma source(%dma_start3A_357 : memref<128x128xf32, #tpu.memory_space<vmem>>) target(%dma_start3A_353 : memref<128x128xf32, #tpu.memory_space<vmem_shared>>) target_semaphore(%run_scoped3A_345 : memref<!tpu.dma_semaphore, #tpu.memory_space<semaphore_mem>>)
      %dma_wait3A = arith.constant 0 : i32
      %dma_wait3A_358 = arith.constant 0 : i32
      %dma_wait3A_359 = tpu.memref_slice %arg9[%run_scoped3A_25, %dma_wait3A, %dma_wait3A_358] : memref<2x128x128xf32, #tpu.memory_space<vmem>> -> memref<1x128x128xf32, #tpu.memory_space<vmem>>
      %dma_wait3A_360 = tpu.memref_squeeze %dma_wait3A_359 : memref<1x128x128xf32, #tpu.memory_space<vmem>> -> memref<128x128xf32, #tpu.memory_space<vmem>>
      %dma_wait3A_361 = arith.constant 0 : i32
      %dma_wait3A_362 = tpu.memref_slice %arg6[%add3A_24, %dma_wait3A_361] : memref<10240x128xf32, #tpu.memory_space<vmem_shared>> -> memref<128x128xf32, #tpu.memory_space<vmem_shared>>
      %dma_wait3A_363 = arith.constant 0 : i32
      %dma_wait3A_364 = tpu.memref_slice %arg6[%add3A_24, %dma_wait3A_363] : memref<10240x128xf32, #tpu.memory_space<vmem_shared>> -> memref<128x128xf32, #tpu.memory_space<vmem_shared>>
      %dma_wait3A_365 = arith.constant 0 : i32
      %dma_wait3A_366 = arith.constant 0 : i32
      %dma_wait3A_367 = tpu.memref_slice %arg9[%run_scoped3A_25, %dma_wait3A_365, %dma_wait3A_366] : memref<2x128x128xf32, #tpu.memory_space<vmem>> -> memref<1x128x128xf32, #tpu.memory_space<vmem>>
      %dma_wait3A_368 = tpu.memref_squeeze %dma_wait3A_367 : memref<1x128x128xf32, #tpu.memory_space<vmem>> -> memref<128x128xf32, #tpu.memory_space<vmem>>
      tpu.wait_dma2 semaphore(%run_scoped3A_345 : memref<!tpu.dma_semaphore, #tpu.memory_space<semaphore_mem>>) src(%dma_wait3A_368 : memref<128x128xf32, #tpu.memory_space<vmem>>) dst(%dma_wait3A_364 : memref<128x128xf32, #tpu.memory_space<vmem_shared>>)
      tpu.yield
    }) : () -> ()
    %mul3A_26 = arith.constant 640 : i32
    %mul3A_27 = arith.muli %arg1, %mul3A_26 : i32
    %add3A_28 = arith.constant 384 : i32
    %add3A_29 = arith.addi %mul3A_27, %add3A_28 : i32
    %run_scoped3A_30 = arith.constant 0 : i32
    "tpu.region"() ({
      %run_scoped3A_345 = tpu.sem_alloc : memref<!tpu.dma_semaphore, #tpu.memory_space<semaphore_mem>>
      %dma_start3A_346 = arith.constant 0 : i32
      %dma_start3A_347 = arith.constant 0 : i32
      %dma_start3A_348 = tpu.memref_slice %arg9[%run_scoped3A_30, %dma_start3A_346, %dma_start3A_347] : memref<2x128x128xf32, #tpu.memory_space<vmem>> -> memref<1x128x128xf32, #tpu.memory_space<vmem>>
      %dma_start3A_349 = tpu.memref_squeeze %dma_start3A_348 : memref<1x128x128xf32, #tpu.memory_space<vmem>> -> memref<128x128xf32, #tpu.memory_space<vmem>>
      %dma_start3A_350 = arith.constant 0 : i32
      %dma_start3A_351 = tpu.memref_slice %arg6[%add3A_29, %dma_start3A_350] : memref<10240x128xf32, #tpu.memory_space<vmem_shared>> -> memref<128x128xf32, #tpu.memory_space<vmem_shared>>
      %dma_start3A_352 = arith.constant 0 : i32
      %dma_start3A_353 = tpu.memref_slice %arg6[%add3A_29, %dma_start3A_352] : memref<10240x128xf32, #tpu.memory_space<vmem_shared>> -> memref<128x128xf32, #tpu.memory_space<vmem_shared>>
      %dma_start3A_354 = arith.constant 0 : i32
      %dma_start3A_355 = arith.constant 0 : i32
      %dma_start3A_356 = tpu.memref_slice %arg9[%run_scoped3A_30, %dma_start3A_354, %dma_start3A_355] : memref<2x128x128xf32, #tpu.memory_space<vmem>> -> memref<1x128x128xf32, #tpu.memory_space<vmem>>
      %dma_start3A_357 = tpu.memref_squeeze %dma_start3A_356 : memref<1x128x128xf32, #tpu.memory_space<vmem>> -> memref<128x128xf32, #tpu.memory_space<vmem>>
      tpu.enqueue_dma source(%dma_start3A_357 : memref<128x128xf32, #tpu.memory_space<vmem>>) target(%dma_start3A_353 : memref<128x128xf32, #tpu.memory_space<vmem_shared>>) target_semaphore(%run_scoped3A_345 : memref<!tpu.dma_semaphore, #tpu.memory_space<semaphore_mem>>)
      %dma_wait3A = arith.constant 0 : i32
      %dma_wait3A_358 = arith.constant 0 : i32
      %dma_wait3A_359 = tpu.memref_slice %arg9[%run_scoped3A_30, %dma_wait3A, %dma_wait3A_358] : memref<2x128x128xf32, #tpu.memory_space<vmem>> -> memref<1x128x128xf32, #tpu.memory_space<vmem>>
      %dma_wait3A_360 = tpu.memref_squeeze %dma_wait3A_359 : memref<1x128x128xf32, #tpu.memory_space<vmem>> -> memref<128x128xf32, #tpu.memory_space<vmem>>
      %dma_wait3A_361 = arith.constant 0 : i32
      %dma_wait3A_362 = tpu.memref_slice %arg6[%add3A_29, %dma_wait3A_361] : memref<10240x128xf32, #tpu.memory_space<vmem_shared>> -> memref<128x128xf32, #tpu.memory_space<vmem_shared>>
      %dma_wait3A_363 = arith.constant 0 : i32
      %dma_wait3A_364 = tpu.memref_slice %arg6[%add3A_29, %dma_wait3A_363] : memref<10240x128xf32, #tpu.memory_space<vmem_shared>> -> memref<128x128xf32, #tpu.memory_space<vmem_shared>>
      %dma_wait3A_365 = arith.constant 0 : i32
      %dma_wait3A_366 = arith.constant 0 : i32
      %dma_wait3A_367 = tpu.memref_slice %arg9[%run_scoped3A_30, %dma_wait3A_365, %dma_wait3A_366] : memref<2x128x128xf32, #tpu.memory_space<vmem>> -> memref<1x128x128xf32, #tpu.memory_space<vmem>>
      %dma_wait3A_368 = tpu.memref_squeeze %dma_wait3A_367 : memref<1x128x128xf32, #tpu.memory_space<vmem>> -> memref<128x128xf32, #tpu.memory_space<vmem>>
      tpu.wait_dma2 semaphore(%run_scoped3A_345 : memref<!tpu.dma_semaphore, #tpu.memory_space<semaphore_mem>>) src(%dma_wait3A_368 : memref<128x128xf32, #tpu.memory_space<vmem>>) dst(%dma_wait3A_364 : memref<128x128xf32, #tpu.memory_space<vmem_shared>>)
      tpu.yield
    }) : () -> ()
    %mul3A_31 = arith.constant 640 : i32
    %mul3A_32 = arith.muli %arg1, %mul3A_31 : i32
    %add3A_33 = arith.constant 512 : i32
    %add3A_34 = arith.addi %mul3A_32, %add3A_33 : i32
    %run_scoped3A_35 = arith.constant 0 : i32
    "tpu.region"() ({
      %run_scoped3A_345 = tpu.sem_alloc : memref<!tpu.dma_semaphore, #tpu.memory_space<semaphore_mem>>
      %dma_start3A_346 = arith.constant 0 : i32
      %dma_start3A_347 = arith.constant 0 : i32
      %dma_start3A_348 = tpu.memref_slice %arg9[%run_scoped3A_35, %dma_start3A_346, %dma_start3A_347] : memref<2x128x128xf32, #tpu.memory_space<vmem>> -> memref<1x128x128xf32, #tpu.memory_space<vmem>>
      %dma_start3A_349 = tpu.memref_squeeze %dma_start3A_348 : memref<1x128x128xf32, #tpu.memory_space<vmem>> -> memref<128x128xf32, #tpu.memory_space<vmem>>
      %dma_start3A_350 = arith.constant 0 : i32
      %dma_start3A_351 = tpu.memref_slice %arg6[%add3A_34, %dma_start3A_350] : memref<10240x128xf32, #tpu.memory_space<vmem_shared>> -> memref<128x128xf32, #tpu.memory_space<vmem_shared>>
      %dma_start3A_352 = arith.constant 0 : i32
      %dma_start3A_353 = tpu.memref_slice %arg6[%add3A_34, %dma_start3A_352] : memref<10240x128xf32, #tpu.memory_space<vmem_shared>> -> memref<128x128xf32, #tpu.memory_space<vmem_shared>>
      %dma_start3A_354 = arith.constant 0 : i32
      %dma_start3A_355 = arith.constant 0 : i32
      %dma_start3A_356 = tpu.memref_slice %arg9[%run_scoped3A_35, %dma_start3A_354, %dma_start3A_355] : memref<2x128x128xf32, #tpu.memory_space<vmem>> -> memref<1x128x128xf32, #tpu.memory_space<vmem>>
      %dma_start3A_357 = tpu.memref_squeeze %dma_start3A_356 : memref<1x128x128xf32, #tpu.memory_space<vmem>> -> memref<128x128xf32, #tpu.memory_space<vmem>>
      tpu.enqueue_dma source(%dma_start3A_357 : memref<128x128xf32, #tpu.memory_space<vmem>>) target(%dma_start3A_353 : memref<128x128xf32, #tpu.memory_space<vmem_shared>>) target_semaphore(%run_scoped3A_345 : memref<!tpu.dma_semaphore, #tpu.memory_space<semaphore_mem>>)
      %dma_wait3A = arith.constant 0 : i32
      %dma_wait3A_358 = arith.constant 0 : i32
      %dma_wait3A_359 = tpu.memref_slice %arg9[%run_scoped3A_35, %dma_wait3A, %dma_wait3A_358] : memref<2x128x128xf32, #tpu.memory_space<vmem>> -> memref<1x128x128xf32, #tpu.memory_space<vmem>>
      %dma_wait3A_360 = tpu.memref_squeeze %dma_wait3A_359 : memref<1x128x128xf32, #tpu.memory_space<vmem>> -> memref<128x128xf32, #tpu.memory_space<vmem>>
      %dma_wait3A_361 = arith.constant 0 : i32
      %dma_wait3A_362 = tpu.memref_slice %arg6[%add3A_34, %dma_wait3A_361] : memref<10240x128xf32, #tpu.memory_space<vmem_shared>> -> memref<128x128xf32, #tpu.memory_space<vmem_shared>>
      %dma_wait3A_363 = arith.constant 0 : i32
      %dma_wait3A_364 = tpu.memref_slice %arg6[%add3A_34, %dma_wait3A_363] : memref<10240x128xf32, #tpu.memory_space<vmem_shared>> -> memref<128x128xf32, #tpu.memory_space<vmem_shared>>
      %dma_wait3A_365 = arith.constant 0 : i32
      %dma_wait3A_366 = arith.constant 0 : i32
      %dma_wait3A_367 = tpu.memref_slice %arg9[%run_scoped3A_35, %dma_wait3A_365, %dma_wait3A_366] : memref<2x128x128xf32, #tpu.memory_space<vmem>> -> memref<1x128x128xf32, #tpu.memory_space<vmem>>
      %dma_wait3A_368 = tpu.memref_squeeze %dma_wait3A_367 : memref<1x128x128xf32, #tpu.memory_space<vmem>> -> memref<128x128xf32, #tpu.memory_space<vmem>>
      tpu.wait_dma2 semaphore(%run_scoped3A_345 : memref<!tpu.dma_semaphore, #tpu.memory_space<semaphore_mem>>) src(%dma_wait3A_368 : memref<128x128xf32, #tpu.memory_space<vmem>>) dst(%dma_wait3A_364 : memref<128x128xf32, #tpu.memory_space<vmem_shared>>)
      tpu.yield
    }) : () -> ()
    %barrier3A = arith.constant 0 : index
    tpu.barrier barrier_id(%barrier3A)
    %broadcast_in_dim3A_36 = arith.constant 1.000000e+00 : f32
    %broadcast_in_dim3A_37 = vector.broadcast %broadcast_in_dim3A_36 : f32 to vector<16xf32>
    "tpu.region"() ({
      %run_scoped3A_345 = tpu.sem_alloc : memref<!tpu.dma_semaphore, #tpu.memory_space<semaphore_mem>>
      %dma_start3A_346 = arith.constant 0 : i32
      %dma_start3A_347 = arith.constant 0 : i32
      %dma_start3A_348 = arith.constant 0 : i32
      %dma_start3A_349 = tpu.memref_slice %arg7[%dma_start3A_346, %dma_start3A_347, %dma_start3A_348] : memref<4x2x128xi32, #tpu.memory_space<vmem>> -> memref<2x2x128xi32, #tpu.memory_space<vmem>>
      %dma_start3A_350 = arith.constant 0 : i32
      %dma_start3A_351 = arith.constant 0 : i32
      %dma_start3A_352 = tpu.memref_slice %arg3[%mul3A_0, %dma_start3A_350, %dma_start3A_351] : memref<1280x2x128xi32, #tpu.memory_space<hbm>> -> memref<2x2x128xi32, #tpu.memory_space<hbm>>
      %dma_start3A_353 = arith.constant 0 : i32
      %dma_start3A_354 = arith.constant 0 : i32
      %dma_start3A_355 = arith.constant 0 : i32
      %dma_start3A_356 = tpu.memref_slice %arg7[%dma_start3A_353, %dma_start3A_354, %dma_start3A_355] : memref<4x2x128xi32, #tpu.memory_space<vmem>> -> memref<2x2x128xi32, #tpu.memory_space<vmem>>
      %dma_start3A_357 = arith.constant 0 : i32
      %dma_start3A_358 = arith.constant 0 : i32
      %dma_start3A_359 = tpu.memref_slice %arg3[%mul3A_0, %dma_start3A_357, %dma_start3A_358] : memref<1280x2x128xi32, #tpu.memory_space<hbm>> -> memref<2x2x128xi32, #tpu.memory_space<hbm>>
      tpu.enqueue_dma source(%dma_start3A_359 : memref<2x2x128xi32, #tpu.memory_space<hbm>>) target(%dma_start3A_356 : memref<2x2x128xi32, #tpu.memory_space<vmem>>) target_semaphore(%run_scoped3A_345 : memref<!tpu.dma_semaphore, #tpu.memory_space<semaphore_mem>>)
      %dma_wait3A = arith.constant 0 : i32
      %dma_wait3A_360 = arith.constant 0 : i32
      %dma_wait3A_361 = arith.constant 0 : i32
      %dma_wait3A_362 = tpu.memref_slice %arg7[%dma_wait3A, %dma_wait3A_360, %dma_wait3A_361] : memref<4x2x128xi32, #tpu.memory_space<vmem>> -> memref<2x2x128xi32, #tpu.memory_space<vmem>>
      %dma_wait3A_363 = arith.constant 0 : i32
      %dma_wait3A_364 = arith.constant 0 : i32
      %dma_wait3A_365 = tpu.memref_slice %arg3[%mul3A_0, %dma_wait3A_363, %dma_wait3A_364] : memref<1280x2x128xi32, #tpu.memory_space<hbm>> -> memref<2x2x128xi32, #tpu.memory_space<hbm>>
      %dma_wait3A_366 = arith.constant 0 : i32
      %dma_wait3A_367 = arith.constant 0 : i32
      %dma_wait3A_368 = arith.constant 0 : i32
      %dma_wait3A_369 = tpu.memref_slice %arg7[%dma_wait3A_366, %dma_wait3A_367, %dma_wait3A_368] : memref<4x2x128xi32, #tpu.memory_space<vmem>> -> memref<2x2x128xi32, #tpu.memory_space<vmem>>
      %dma_wait3A_370 = arith.constant 0 : i32
      %dma_wait3A_371 = arith.constant 0 : i32
      %dma_wait3A_372 = tpu.memref_slice %arg3[%mul3A_0, %dma_wait3A_370, %dma_wait3A_371] : memref<1280x2x128xi32, #tpu.memory_space<hbm>> -> memref<2x2x128xi32, #tpu.memory_space<hbm>>
      tpu.wait_dma2 semaphore(%run_scoped3A_345 : memref<!tpu.dma_semaphore, #tpu.memory_space<semaphore_mem>>) src(%dma_wait3A_372 : memref<2x2x128xi32, #tpu.memory_space<hbm>>) dst(%dma_wait3A_369 : memref<2x2x128xi32, #tpu.memory_space<vmem>>)
      tpu.yield
    }) : () -> ()
    %add3A_38 = arith.constant 2 : i32
    %add3A_39 = arith.addi %mul3A_0, %add3A_38 : i32
    %dma_start3A = arith.constant 2 : i32
    %dma_start3A_40 = arith.constant 0 : i32
    %dma_start3A_41 = arith.constant 0 : i32
    %dma_start3A_42 = tpu.memref_slice %arg7[%dma_start3A, %dma_start3A_40, %dma_start3A_41] : memref<4x2x128xi32, #tpu.memory_space<vmem>> -> memref<1x2x128xi32, #tpu.memory_space<vmem>>
    %dma_start3A_43 = arith.constant 0 : i32
    %dma_start3A_44 = arith.constant 0 : i32
    %dma_start3A_45 = tpu.memref_slice %arg3[%add3A_39, %dma_start3A_43, %dma_start3A_44] : memref<1280x2x128xi32, #tpu.memory_space<hbm>> -> memref<1x2x128xi32, #tpu.memory_space<hbm>>
    %dma_start3A_46 = arith.constant 2 : i32
    %dma_start3A_47 = arith.constant 0 : i32
    %dma_start3A_48 = arith.constant 0 : i32
    %dma_start3A_49 = tpu.memref_slice %arg7[%dma_start3A_46, %dma_start3A_47, %dma_start3A_48] : memref<4x2x128xi32, #tpu.memory_space<vmem>> -> memref<1x2x128xi32, #tpu.memory_space<vmem>>
    %dma_start3A_50 = arith.constant 0 : i32
    %dma_start3A_51 = arith.constant 0 : i32
    %dma_start3A_52 = tpu.memref_slice %arg3[%add3A_39, %dma_start3A_50, %dma_start3A_51] : memref<1280x2x128xi32, #tpu.memory_space<hbm>> -> memref<1x2x128xi32, #tpu.memory_space<hbm>>
    tpu.enqueue_dma source(%dma_start3A_52 : memref<1x2x128xi32, #tpu.memory_space<hbm>>) target(%dma_start3A_49 : memref<1x2x128xi32, #tpu.memory_space<vmem>>) target_semaphore(%arg13 : memref<!tpu.dma_semaphore, #tpu.memory_space<semaphore_mem>>)
    %add3A_53 = arith.constant 3 : i32
    %add3A_54 = arith.addi %mul3A_0, %add3A_53 : i32
    %dma_start3A_55 = arith.constant 3 : i32
    %dma_start3A_56 = arith.constant 0 : i32
    %dma_start3A_57 = arith.constant 0 : i32
    %dma_start3A_58 = tpu.memref_slice %arg7[%dma_start3A_55, %dma_start3A_56, %dma_start3A_57] : memref<4x2x128xi32, #tpu.memory_space<vmem>> -> memref<1x2x128xi32, #tpu.memory_space<vmem>>
    %dma_start3A_59 = arith.constant 0 : i32
    %dma_start3A_60 = arith.constant 0 : i32
    %dma_start3A_61 = tpu.memref_slice %arg3[%add3A_54, %dma_start3A_59, %dma_start3A_60] : memref<1280x2x128xi32, #tpu.memory_space<hbm>> -> memref<1x2x128xi32, #tpu.memory_space<hbm>>
    %dma_start3A_62 = arith.constant 3 : i32
    %dma_start3A_63 = arith.constant 0 : i32
    %dma_start3A_64 = arith.constant 0 : i32
    %dma_start3A_65 = tpu.memref_slice %arg7[%dma_start3A_62, %dma_start3A_63, %dma_start3A_64] : memref<4x2x128xi32, #tpu.memory_space<vmem>> -> memref<1x2x128xi32, #tpu.memory_space<vmem>>
    %dma_start3A_66 = arith.constant 0 : i32
    %dma_start3A_67 = arith.constant 0 : i32
    %dma_start3A_68 = tpu.memref_slice %arg3[%add3A_54, %dma_start3A_66, %dma_start3A_67] : memref<1280x2x128xi32, #tpu.memory_space<hbm>> -> memref<1x2x128xi32, #tpu.memory_space<hbm>>
    tpu.enqueue_dma source(%dma_start3A_68 : memref<1x2x128xi32, #tpu.memory_space<hbm>>) target(%dma_start3A_65 : memref<1x2x128xi32, #tpu.memory_space<vmem>>) target_semaphore(%arg14 : memref<!tpu.dma_semaphore, #tpu.memory_space<semaphore_mem>>)
    %get3A = arith.constant 0 : i32
    %get3A_69 = arith.constant 0 : i32
    %get3A_70 = arith.index_cast %get3A : i32 to index
    %get3A_71 = arith.index_cast %get3A_69 : i32 to index
    %get3A_72 = arith.constant 0 : index
    %get3A_73 = tpu.vector_load %arg7[%get3A_70, %get3A_71, %get3A_72] {strides = array<i32>} : memref<4x2x128xi32, #tpu.memory_space<vmem>>, vector<16xi32>,
    %mul3A_74 = arith.constant 2 : i32
    %mul3A_75 = vector.broadcast %mul3A_74 : i32 to vector<16xi32>
    %mul3A_76 = arith.muli %get3A_73, %mul3A_75 : vector<16xi32>
    %add3A_77 = vector.broadcast %arg0 : i32 to vector<16xi32>
    %add3A_78 = arith.addi %mul3A_76, %add3A_77 : vector<16xi32>
    %swap3A = arith.constant 0 : i32
    %swap3A_79 = arith.index_cast %swap3A : i32 to index
    %swap3A_80 = arith.constant 0 : index
    %swap3A_81 = tpu.vector_load %arg8[%swap3A_79, %swap3A_80] {strides = array<i32>} : memref<2x128xi32, #tpu.memory_space<vmem>>, vector<16xi32>,
    tpu.vector_store %arg8[%swap3A_79, %swap3A_80], %add3A_78 {strides = array<i32>} : memref<2x128xi32, #tpu.memory_space<vmem>>, vector<16xi32>,
    %get3A_82 = arith.constant 0 : i32
    %get3A_83 = arith.constant 0 : i32
    %get3A_84 = arith.index_cast %get3A_82 : i32 to index
    %get3A_85 = arith.index_cast %get3A_83 : i32 to index
    %get3A_86 = arith.constant 16 : index
    %get3A_87 = tpu.vector_load %arg7[%get3A_84, %get3A_85, %get3A_86] {strides = array<i32>} : memref<4x2x128xi32, #tpu.memory_space<vmem>>, vector<16xi32>,
    %mul3A_88 = arith.constant 2 : i32
    %mul3A_89 = vector.broadcast %mul3A_88 : i32 to vector<16xi32>
    %mul3A_90 = arith.muli %get3A_87, %mul3A_89 : vector<16xi32>
    %add3A_91 = vector.broadcast %arg0 : i32 to vector<16xi32>
    %add3A_92 = arith.addi %mul3A_90, %add3A_91 : vector<16xi32>
    %swap3A_93 = arith.constant 0 : i32
    %swap3A_94 = arith.index_cast %swap3A_93 : i32 to index
    %swap3A_95 = arith.constant 16 : index
    %swap3A_96 = tpu.vector_load %arg8[%swap3A_94, %swap3A_95] {strides = array<i32>} : memref<2x128xi32, #tpu.memory_space<vmem>>, vector<16xi32>,
    tpu.vector_store %arg8[%swap3A_94, %swap3A_95], %add3A_92 {strides = array<i32>} : memref<2x128xi32, #tpu.memory_space<vmem>>, vector<16xi32>,
    %get3A_97 = arith.constant 0 : i32
    %get3A_98 = arith.constant 0 : i32
    %get3A_99 = arith.index_cast %get3A_97 : i32 to index
    %get3A_100 = arith.index_cast %get3A_98 : i32 to index
    %get3A_101 = arith.constant 32 : index
    %get3A_102 = tpu.vector_load %arg7[%get3A_99, %get3A_100, %get3A_101] {strides = array<i32>} : memref<4x2x128xi32, #tpu.memory_space<vmem>>, vector<16xi32>,
    %mul3A_103 = arith.constant 2 : i32
    %mul3A_104 = vector.broadcast %mul3A_103 : i32 to vector<16xi32>
    %mul3A_105 = arith.muli %get3A_102, %mul3A_104 : vector<16xi32>
    %add3A_106 = vector.broadcast %arg0 : i32 to vector<16xi32>
    %add3A_107 = arith.addi %mul3A_105, %add3A_106 : vector<16xi32>
    %swap3A_108 = arith.constant 0 : i32
    %swap3A_109 = arith.index_cast %swap3A_108 : i32 to index
    %swap3A_110 = arith.constant 32 : index
    %swap3A_111 = tpu.vector_load %arg8[%swap3A_109, %swap3A_110] {strides = array<i32>} : memref<2x128xi32, #tpu.memory_space<vmem>>, vector<16xi32>,
    tpu.vector_store %arg8[%swap3A_109, %swap3A_110], %add3A_107 {strides = array<i32>} : memref<2x128xi32, #tpu.memory_space<vmem>>, vector<16xi32>,
    %get3A_112 = arith.constant 0 : i32
    %get3A_113 = arith.constant 0 : i32
    %get3A_114 = arith.index_cast %get3A_112 : i32 to index
    %get3A_115 = arith.index_cast %get3A_113 : i32 to index
    %get3A_116 = arith.constant 48 : index
    %get3A_117 = tpu.vector_load %arg7[%get3A_114, %get3A_115, %get3A_116] {strides = array<i32>} : memref<4x2x128xi32, #tpu.memory_space<vmem>>, vector<16xi32>,
    %mul3A_118 = arith.constant 2 : i32
    %mul3A_119 = vector.broadcast %mul3A_118 : i32 to vector<16xi32>
    %mul3A_120 = arith.muli %get3A_117, %mul3A_119 : vector<16xi32>
    %add3A_121 = vector.broadcast %arg0 : i32 to vector<16xi32>
    %add3A_122 = arith.addi %mul3A_120, %add3A_121 : vector<16xi32>
    %swap3A_123 = arith.constant 0 : i32
    %swap3A_124 = arith.index_cast %swap3A_123 : i32 to index
    %swap3A_125 = arith.constant 48 : index
    %swap3A_126 = tpu.vector_load %arg8[%swap3A_124, %swap3A_125] {strides = array<i32>} : memref<2x128xi32, #tpu.memory_space<vmem>>, vector<16xi32>,
    tpu.vector_store %arg8[%swap3A_124, %swap3A_125], %add3A_122 {strides = array<i32>} : memref<2x128xi32, #tpu.memory_space<vmem>>, vector<16xi32>,
    %get3A_127 = arith.constant 0 : i32
    %get3A_128 = arith.constant 0 : i32
    %get3A_129 = arith.index_cast %get3A_127 : i32 to index
    %get3A_130 = arith.index_cast %get3A_128 : i32 to index
    %get3A_131 = arith.constant 64 : index
    %get3A_132 = tpu.vector_load %arg7[%get3A_129, %get3A_130, %get3A_131] {strides = array<i32>} : memref<4x2x128xi32, #tpu.memory_space<vmem>>, vector<16xi32>,
    %mul3A_133 = arith.constant 2 : i32
    %mul3A_134 = vector.broadcast %mul3A_133 : i32 to vector<16xi32>
    %mul3A_135 = arith.muli %get3A_132, %mul3A_134 : vector<16xi32>
    %add3A_136 = vector.broadcast %arg0 : i32 to vector<16xi32>
    %add3A_137 = arith.addi %mul3A_135, %add3A_136 : vector<16xi32>
    %swap3A_138 = arith.constant 0 : i32
    %swap3A_139 = arith.index_cast %swap3A_138 : i32 to index
    %swap3A_140 = arith.constant 64 : index
    %swap3A_141 = tpu.vector_load %arg8[%swap3A_139, %swap3A_140] {strides = array<i32>} : memref<2x128xi32, #tpu.memory_space<vmem>>, vector<16xi32>,
    tpu.vector_store %arg8[%swap3A_139, %swap3A_140], %add3A_137 {strides = array<i32>} : memref<2x128xi32, #tpu.memory_space<vmem>>, vector<16xi32>,
    %get3A_142 = arith.constant 0 : i32
    %get3A_143 = arith.constant 0 : i32
    %get3A_144 = arith.index_cast %get3A_142 : i32 to index
    %get3A_145 = arith.index_cast %get3A_143 : i32 to index
    %get3A_146 = arith.constant 80 : index
    %get3A_147 = tpu.vector_load %arg7[%get3A_144, %get3A_145, %get3A_146] {strides = array<i32>} : memref<4x2x128xi32, #tpu.memory_space<vmem>>, vector<16xi32>,
    %mul3A_148 = arith.constant 2 : i32
    %mul3A_149 = vector.broadcast %mul3A_148 : i32 to vector<16xi32>
    %mul3A_150 = arith.muli %get3A_147, %mul3A_149 : vector<16xi32>
    %add3A_151 = vector.broadcast %arg0 : i32 to vector<16xi32>
    %add3A_152 = arith.addi %mul3A_150, %add3A_151 : vector<16xi32>
    %swap3A_153 = arith.constant 0 : i32
    %swap3A_154 = arith.index_cast %swap3A_153 : i32 to index
    %swap3A_155 = arith.constant 80 : index
    %swap3A_156 = tpu.vector_load %arg8[%swap3A_154, %swap3A_155] {strides = array<i32>} : memref<2x128xi32, #tpu.memory_space<vmem>>, vector<16xi32>,
    tpu.vector_store %arg8[%swap3A_154, %swap3A_155], %add3A_152 {strides = array<i32>} : memref<2x128xi32, #tpu.memory_space<vmem>>, vector<16xi32>,
    %get3A_157 = arith.constant 0 : i32
    %get3A_158 = arith.constant 0 : i32
    %get3A_159 = arith.index_cast %get3A_157 : i32 to index
    %get3A_160 = arith.index_cast %get3A_158 : i32 to index
    %get3A_161 = arith.constant 96 : index
    %get3A_162 = tpu.vector_load %arg7[%get3A_159, %get3A_160, %get3A_161] {strides = array<i32>} : memref<4x2x128xi32, #tpu.memory_space<vmem>>, vector<16xi32>,
    %mul3A_163 = arith.constant 2 : i32
    %mul3A_164 = vector.broadcast %mul3A_163 : i32 to vector<16xi32>
    %mul3A_165 = arith.muli %get3A_162, %mul3A_164 : vector<16xi32>
    %add3A_166 = vector.broadcast %arg0 : i32 to vector<16xi32>
    %add3A_167 = arith.addi %mul3A_165, %add3A_166 : vector<16xi32>
    %swap3A_168 = arith.constant 0 : i32
    %swap3A_169 = arith.index_cast %swap3A_168 : i32 to index
    %swap3A_170 = arith.constant 96 : index
    %swap3A_171 = tpu.vector_load %arg8[%swap3A_169, %swap3A_170] {strides = array<i32>} : memref<2x128xi32, #tpu.memory_space<vmem>>, vector<16xi32>,
    tpu.vector_store %arg8[%swap3A_169, %swap3A_170], %add3A_167 {strides = array<i32>} : memref<2x128xi32, #tpu.memory_space<vmem>>, vector<16xi32>,
    %get3A_172 = arith.constant 0 : i32
    %get3A_173 = arith.constant 0 : i32
    %get3A_174 = arith.index_cast %get3A_172 : i32 to index
    %get3A_175 = arith.index_cast %get3A_173 : i32 to index
    %get3A_176 = arith.constant 112 : index
    %get3A_177 = tpu.vector_load %arg7[%get3A_174, %get3A_175, %get3A_176] {strides = array<i32>} : memref<4x2x128xi32, #tpu.memory_space<vmem>>, vector<16xi32>,
    %mul3A_178 = arith.constant 2 : i32
    %mul3A_179 = vector.broadcast %mul3A_178 : i32 to vector<16xi32>
    %mul3A_180 = arith.muli %get3A_177, %mul3A_179 : vector<16xi32>
    %add3A_181 = vector.broadcast %arg0 : i32 to vector<16xi32>
    %add3A_182 = arith.addi %mul3A_180, %add3A_181 : vector<16xi32>
    %swap3A_183 = arith.constant 0 : i32
    %swap3A_184 = arith.index_cast %swap3A_183 : i32 to index
    %swap3A_185 = arith.constant 112 : index
    %swap3A_186 = tpu.vector_load %arg8[%swap3A_184, %swap3A_185] {strides = array<i32>} : memref<2x128xi32, #tpu.memory_space<vmem>>, vector<16xi32>,
    tpu.vector_store %arg8[%swap3A_184, %swap3A_185], %add3A_182 {strides = array<i32>} : memref<2x128xi32, #tpu.memory_space<vmem>>, vector<16xi32>,
    %dma_start3A_187 = arith.constant 0 : i32
    %dma_start3A_188 = arith.constant 0 : i32
    %dma_start3A_189 = arith.constant 0 : i32
    %dma_start3A_190 = arith.constant 0 : i32
    %dma_start3A_191 = tpu.memref_slice %arg9[%dma_start3A_188, %dma_start3A_189, %dma_start3A_190] : memref<2x128x128xf32, #tpu.memory_space<vmem>> -> memref<1x128x128xf32, #tpu.memory_space<vmem>>
    %dma_start3A_192 = tpu.memref_squeeze %dma_start3A_191 : memref<1x128x128xf32, #tpu.memory_space<vmem>> -> memref<128x128xf32, #tpu.memory_space<vmem>>
    %dma_start3A_193 = arith.constant 0 : i32
    %dma_start3A_194 = tpu.memref_slice %arg8[%dma_start3A_187, %dma_start3A_193] : memref<2x128xi32, #tpu.memory_space<vmem>> -> memref<1x128xi32, #tpu.memory_space<vmem>>
    %dma_start3A_195 = tpu.memref_squeeze %dma_start3A_194 : memref<1x128xi32, #tpu.memory_space<vmem>> -> memref<128xi32, #tpu.memory_space<vmem>>
    %dma_start3A_196 = arith.constant 0 : i32
    %dma_start3A_197 = arith.constant 0 : i32
    %dma_start3A_198 = tpu.memref_slice %arg2[%dma_start3A_196, %dma_start3A_197] : memref<20000x128xf32, #tpu.memory_space<hbm>> -> memref<20000x128xf32, #tpu.memory_space<hbm>>
    tpu.enqueue_indirect_dma source(%dma_start3A_198 : memref<20000x128xf32, #tpu.memory_space<hbm>>) target(%dma_start3A_192 : memref<128x128xf32, #tpu.memory_space<vmem>>) offsets(%dma_start3A_195 : memref<128xi32, #tpu.memory_space<vmem>>) semaphore(%arg11 : memref<!tpu.dma_semaphore, #tpu.memory_space<semaphore_mem>>)
    %get3A_199 = arith.constant 1 : i32
    %get3A_200 = arith.constant 0 : i32
    %get3A_201 = arith.index_cast %get3A_199 : i32 to index
    %get3A_202 = arith.index_cast %get3A_200 : i32 to index
    %get3A_203 = arith.constant 0 : index
    %get3A_204 = tpu.vector_load %arg7[%get3A_201, %get3A_202, %get3A_203] {strides = array<i32>} : memref<4x2x128xi32, #tpu.memory_space<vmem>>, vector<16xi32>,
    %mul3A_205 = arith.constant 2 : i32
    %mul3A_206 = vector.broadcast %mul3A_205 : i32 to vector<16xi32>
    %mul3A_207 = arith.muli %get3A_204, %mul3A_206 : vector<16xi32>
    %add3A_208 = vector.broadcast %arg0 : i32 to vector<16xi32>
    %add3A_209 = arith.addi %mul3A_207, %add3A_208 : vector<16xi32>
    %swap3A_210 = arith.constant 1 : i32
    %swap3A_211 = arith.index_cast %swap3A_210 : i32 to index
    %swap3A_212 = arith.constant 0 : index
    %swap3A_213 = tpu.vector_load %arg8[%swap3A_211, %swap3A_212] {strides = array<i32>} : memref<2x128xi32, #tpu.memory_space<vmem>>, vector<16xi32>,
    tpu.vector_store %arg8[%swap3A_211, %swap3A_212], %add3A_209 {strides = array<i32>} : memref<2x128xi32, #tpu.memory_space<vmem>>, vector<16xi32>,
    %get3A_214 = arith.constant 1 : i32
    %get3A_215 = arith.constant 0 : i32
    %get3A_216 = arith.index_cast %get3A_214 : i32 to index
    %get3A_217 = arith.index_cast %get3A_215 : i32 to index
    %get3A_218 = arith.constant 16 : index
    %get3A_219 = tpu.vector_load %arg7[%get3A_216, %get3A_217, %get3A_218] {strides = array<i32>} : memref<4x2x128xi32, #tpu.memory_space<vmem>>, vector<16xi32>,
    %mul3A_220 = arith.constant 2 : i32
    %mul3A_221 = vector.broadcast %mul3A_220 : i32 to vector<16xi32>
    %mul3A_222 = arith.muli %get3A_219, %mul3A_221 : vector<16xi32>
    %add3A_223 = vector.broadcast %arg0 : i32 to vector<16xi32>
    %add3A_224 = arith.addi %mul3A_222, %add3A_223 : vector<16xi32>
    %swap3A_225 = arith.constant 1 : i32
    %swap3A_226 = arith.index_cast %swap3A_225 : i32 to index
    %swap3A_227 = arith.constant 16 : index
    %swap3A_228 = tpu.vector_load %arg8[%swap3A_226, %swap3A_227] {strides = array<i32>} : memref<2x128xi32, #tpu.memory_space<vmem>>, vector<16xi32>,
    tpu.vector_store %arg8[%swap3A_226, %swap3A_227], %add3A_224 {strides = array<i32>} : memref<2x128xi32, #tpu.memory_space<vmem>>, vector<16xi32>,
    %get3A_229 = arith.constant 1 : i32
    %get3A_230 = arith.constant 0 : i32
    %get3A_231 = arith.index_cast %get3A_229 : i32 to index
    %get3A_232 = arith.index_cast %get3A_230 : i32 to index
    %get3A_233 = arith.constant 32 : index
    %get3A_234 = tpu.vector_load %arg7[%get3A_231, %get3A_232, %get3A_233] {strides = array<i32>} : memref<4x2x128xi32, #tpu.memory_space<vmem>>, vector<16xi32>,
    %mul3A_235 = arith.constant 2 : i32
    %mul3A_236 = vector.broadcast %mul3A_235 : i32 to vector<16xi32>
    %mul3A_237 = arith.muli %get3A_234, %mul3A_236 : vector<16xi32>
    %add3A_238 = vector.broadcast %arg0 : i32 to vector<16xi32>
    %add3A_239 = arith.addi %mul3A_237, %add3A_238 : vector<16xi32>
    %swap3A_240 = arith.constant 1 : i32
    %swap3A_241 = arith.index_cast %swap3A_240 : i32 to index
    %swap3A_242 = arith.constant 32 : index
    %swap3A_243 = tpu.vector_load %arg8[%swap3A_241, %swap3A_242] {strides = array<i32>} : memref<2x128xi32, #tpu.memory_space<vmem>>, vector<16xi32>,
    tpu.vector_store %arg8[%swap3A_241, %swap3A_242], %add3A_239 {strides = array<i32>} : memref<2x128xi32, #tpu.memory_space<vmem>>, vector<16xi32>,
    %get3A_244 = arith.constant 1 : i32
    %get3A_245 = arith.constant 0 : i32
    %get3A_246 = arith.index_cast %get3A_244 : i32 to index
    %get3A_247 = arith.index_cast %get3A_245 : i32 to index
    %get3A_248 = arith.constant 48 : index
    %get3A_249 = tpu.vector_load %arg7[%get3A_246, %get3A_247, %get3A_248] {strides = array<i32>} : memref<4x2x128xi32, #tpu.memory_space<vmem>>, vector<16xi32>,
    %mul3A_250 = arith.constant 2 : i32
    %mul3A_251 = vector.broadcast %mul3A_250 : i32 to vector<16xi32>
    %mul3A_252 = arith.muli %get3A_249, %mul3A_251 : vector<16xi32>
    %add3A_253 = vector.broadcast %arg0 : i32 to vector<16xi32>
    %add3A_254 = arith.addi %mul3A_252, %add3A_253 : vector<16xi32>
    %swap3A_255 = arith.constant 1 : i32
    %swap3A_256 = arith.index_cast %swap3A_255 : i32 to index
    %swap3A_257 = arith.constant 48 : index
    %swap3A_258 = tpu.vector_load %arg8[%swap3A_256, %swap3A_257] {strides = array<i32>} : memref<2x128xi32, #tpu.memory_space<vmem>>, vector<16xi32>,
    tpu.vector_store %arg8[%swap3A_256, %swap3A_257], %add3A_254 {strides = array<i32>} : memref<2x128xi32, #tpu.memory_space<vmem>>, vector<16xi32>,
    %get3A_259 = arith.constant 1 : i32
    %get3A_260 = arith.constant 0 : i32
    %get3A_261 = arith.index_cast %get3A_259 : i32 to index
    %get3A_262 = arith.index_cast %get3A_260 : i32 to index
    %get3A_263 = arith.constant 64 : index
    %get3A_264 = tpu.vector_load %arg7[%get3A_261, %get3A_262, %get3A_263] {strides = array<i32>} : memref<4x2x128xi32, #tpu.memory_space<vmem>>, vector<16xi32>,
    %mul3A_265 = arith.constant 2 : i32
    %mul3A_266 = vector.broadcast %mul3A_265 : i32 to vector<16xi32>
    %mul3A_267 = arith.muli %get3A_264, %mul3A_266 : vector<16xi32>
    %add3A_268 = vector.broadcast %arg0 : i32 to vector<16xi32>
    %add3A_269 = arith.addi %mul3A_267, %add3A_268 : vector<16xi32>
    %swap3A_270 = arith.constant 1 : i32
    %swap3A_271 = arith.index_cast %swap3A_270 : i32 to index
    %swap3A_272 = arith.constant 64 : index
    %swap3A_273 = tpu.vector_load %arg8[%swap3A_271, %swap3A_272] {strides = array<i32>} : memref<2x128xi32, #tpu.memory_space<vmem>>, vector<16xi32>,
    tpu.vector_store %arg8[%swap3A_271, %swap3A_272], %add3A_269 {strides = array<i32>} : memref<2x128xi32, #tpu.memory_space<vmem>>, vector<16xi32>,
    %get3A_274 = arith.constant 1 : i32
    %get3A_275 = arith.constant 0 : i32
    %get3A_276 = arith.index_cast %get3A_274 : i32 to index
    %get3A_277 = arith.index_cast %get3A_275 : i32 to index
    %get3A_278 = arith.constant 80 : index
    %get3A_279 = tpu.vector_load %arg7[%get3A_276, %get3A_277, %get3A_278] {strides = array<i32>} : memref<4x2x128xi32, #tpu.memory_space<vmem>>, vector<16xi32>,
    %mul3A_280 = arith.constant 2 : i32
    %mul3A_281 = vector.broadcast %mul3A_280 : i32 to vector<16xi32>
    %mul3A_282 = arith.muli %get3A_279, %mul3A_281 : vector<16xi32>
    %add3A_283 = vector.broadcast %arg0 : i32 to vector<16xi32>
    %add3A_284 = arith.addi %mul3A_282, %add3A_283 : vector<16xi32>
    %swap3A_285 = arith.constant 1 : i32
    %swap3A_286 = arith.index_cast %swap3A_285 : i32 to index
    %swap3A_287 = arith.constant 80 : index
    %swap3A_288 = tpu.vector_load %arg8[%swap3A_286, %swap3A_287] {strides = array<i32>} : memref<2x128xi32, #tpu.memory_space<vmem>>, vector<16xi32>,
    tpu.vector_store %arg8[%swap3A_286, %swap3A_287], %add3A_284 {strides = array<i32>} : memref<2x128xi32, #tpu.memory_space<vmem>>, vector<16xi32>,
    %get3A_289 = arith.constant 1 : i32
    %get3A_290 = arith.constant 0 : i32
    %get3A_291 = arith.index_cast %get3A_289 : i32 to index
    %get3A_292 = arith.index_cast %get3A_290 : i32 to index
    %get3A_293 = arith.constant 96 : index
    %get3A_294 = tpu.vector_load %arg7[%get3A_291, %get3A_292, %get3A_293] {strides = array<i32>} : memref<4x2x128xi32, #tpu.memory_space<vmem>>, vector<16xi32>,
    %mul3A_295 = arith.constant 2 : i32
    %mul3A_296 = vector.broadcast %mul3A_295 : i32 to vector<16xi32>
    %mul3A_297 = arith.muli %get3A_294, %mul3A_296 : vector<16xi32>
    %add3A_298 = vector.broadcast %arg0 : i32 to vector<16xi32>
    %add3A_299 = arith.addi %mul3A_297, %add3A_298 : vector<16xi32>
    %swap3A_300 = arith.constant 1 : i32
    %swap3A_301 = arith.index_cast %swap3A_300 : i32 to index
    %swap3A_302 = arith.constant 96 : index
    %swap3A_303 = tpu.vector_load %arg8[%swap3A_301, %swap3A_302] {strides = array<i32>} : memref<2x128xi32, #tpu.memory_space<vmem>>, vector<16xi32>,
    tpu.vector_store %arg8[%swap3A_301, %swap3A_302], %add3A_299 {strides = array<i32>} : memref<2x128xi32, #tpu.memory_space<vmem>>, vector<16xi32>,
    %get3A_304 = arith.constant 1 : i32
    %get3A_305 = arith.constant 0 : i32
    %get3A_306 = arith.index_cast %get3A_304 : i32 to index
    %get3A_307 = arith.index_cast %get3A_305 : i32 to index
    %get3A_308 = arith.constant 112 : index
    %get3A_309 = tpu.vector_load %arg7[%get3A_306, %get3A_307, %get3A_308] {strides = array<i32>} : memref<4x2x128xi32, #tpu.memory_space<vmem>>, vector<16xi32>,
    %mul3A_310 = arith.constant 2 : i32
    %mul3A_311 = vector.broadcast %mul3A_310 : i32 to vector<16xi32>
    %mul3A_312 = arith.muli %get3A_309, %mul3A_311 : vector<16xi32>
    %add3A_313 = vector.broadcast %arg0 : i32 to vector<16xi32>
    %add3A_314 = arith.addi %mul3A_312, %add3A_313 : vector<16xi32>
    %swap3A_315 = arith.constant 1 : i32
    %swap3A_316 = arith.index_cast %swap3A_315 : i32 to index
    %swap3A_317 = arith.constant 112 : index
    %swap3A_318 = tpu.vector_load %arg8[%swap3A_316, %swap3A_317] {strides = array<i32>} : memref<2x128xi32, #tpu.memory_space<vmem>>, vector<16xi32>,
    tpu.vector_store %arg8[%swap3A_316, %swap3A_317], %add3A_314 {strides = array<i32>} : memref<2x128xi32, #tpu.memory_space<vmem>>, vector<16xi32>,
    %dma_start3A_319 = arith.constant 1 : i32
    %dma_start3A_320 = arith.constant 1 : i32
    %dma_start3A_321 = arith.constant 0 : i32
    %dma_start3A_322 = arith.constant 0 : i32
    %dma_start3A_323 = tpu.memref_slice %arg9[%dma_start3A_320, %dma_start3A_321, %dma_start3A_322] : memref<2x128x128xf32, #tpu.memory_space<vmem>> -> memref<1x128x128xf32, #tpu.memory_space<vmem>>
    %dma_start3A_324 = tpu.memref_squeeze %dma_start3A_323 : memref<1x128x128xf32, #tpu.memory_space<vmem>> -> memref<128x128xf32, #tpu.memory_space<vmem>>
    %dma_start3A_325 = arith.constant 0 : i32
    %dma_start3A_326 = tpu.memref_slice %arg8[%dma_start3A_319, %dma_start3A_325] : memref<2x128xi32, #tpu.memory_space<vmem>> -> memref<1x128xi32, #tpu.memory_space<vmem>>
    %dma_start3A_327 = tpu.memref_squeeze %dma_start3A_326 : memref<1x128xi32, #tpu.memory_space<vmem>> -> memref<128xi32, #tpu.memory_space<vmem>>
    %dma_start3A_328 = arith.constant 0 : i32
    %dma_start3A_329 = arith.constant 0 : i32
    %dma_start3A_330 = tpu.memref_slice %arg2[%dma_start3A_328, %dma_start3A_329] : memref<20000x128xf32, #tpu.memory_space<hbm>> -> memref<20000x128xf32, #tpu.memory_space<hbm>>
    tpu.enqueue_indirect_dma source(%dma_start3A_330 : memref<20000x128xf32, #tpu.memory_space<hbm>>) target(%dma_start3A_324 : memref<128x128xf32, #tpu.memory_space<vmem>>) offsets(%dma_start3A_327 : memref<128xi32, #tpu.memory_space<vmem>>) semaphore(%arg12 : memref<!tpu.dma_semaphore, #tpu.memory_space<semaphore_mem>>)
    %scan3A_331 = arith.constant 0 : i32
    %scan3A_332 = arith.constant 0 : i32
    %scan3A_333 = arith.constant 80 : i32
    %scan3A_334 = arith.addi %scan3A_332, %scan3A_333 : i32
    %scan3A_335 = arith.constant 1 : i32
    scf.for %scan3A_345 = %scan3A_332 to %scan3A_334 step %scan3A_335  : i32 {
      %jit3A = arith.constant 2 : i32
      %eq3A_346 = arith.constant 0 : i32
      %eq3A_347 = arith.cmpi eq, %jit3A, %eq3A_346 : i32
      %jit3A_348 = arith.constant 1 : i32
      %select_n3A = arith.select %eq3A_347, %jit3A_348, %jit3A : i32
      %rem3A = arith.remsi %scan3A_345, %select_n3A : i32
      %ne3A = arith.constant 0 : i32
      %ne3A_349 = arith.cmpi ne, %rem3A, %ne3A : i32
      %lt3A = arith.constant 0 : i32
      %lt3A_350 = arith.cmpi slt, %rem3A, %lt3A : i32
      %lt3A_351 = arith.constant 0 : i32
      %lt3A_352 = arith.cmpi slt, %select_n3A, %lt3A_351 : i32
      %ne3A_353 = arith.xori %lt3A_350, %lt3A_352 : i1
      %and3A = arith.andi %ne3A_353, %ne3A_349 : i1
      %add3A_354 = arith.addi %rem3A, %select_n3A : i32
      %select_n3A_355 = arith.select %and3A, %add3A_354, %rem3A : i32
      %jit3A_356 = arith.constant 4 : i32
      %eq3A_357 = arith.constant 0 : i32
      %eq3A_358 = arith.cmpi eq, %jit3A_356, %eq3A_357 : i32
      %jit3A_359 = arith.constant 1 : i32
      %select_n3A_360 = arith.select %eq3A_358, %jit3A_359, %jit3A_356 : i32
      %rem3A_361 = arith.remsi %scan3A_345, %select_n3A_360 : i32
      %ne3A_362 = arith.constant 0 : i32
      %ne3A_363 = arith.cmpi ne, %rem3A_361, %ne3A_362 : i32
      %lt3A_364 = arith.constant 0 : i32
      %lt3A_365 = arith.cmpi slt, %rem3A_361, %lt3A_364 : i32
      %lt3A_366 = arith.constant 0 : i32
      %lt3A_367 = arith.cmpi slt, %select_n3A_360, %lt3A_366 : i32
      %ne3A_368 = arith.xori %lt3A_365, %lt3A_367 : i1
      %and3A_369 = arith.andi %ne3A_368, %ne3A_363 : i1
      %add3A_370 = arith.addi %rem3A_361, %select_n3A_360 : i32
      %select_n3A_371 = arith.select %and3A_369, %add3A_370, %rem3A_361 : i32
      %add3A_372 = arith.constant 2 : i32
      %add3A_373 = arith.addi %scan3A_345, %add3A_372 : i32
      %jit3A_374 = arith.constant 4 : i32
      %eq3A_375 = arith.constant 0 : i32
      %eq3A_376 = arith.cmpi eq, %jit3A_374, %eq3A_375 : i32
      %jit3A_377 = arith.constant 1 : i32
      %select_n3A_378 = arith.select %eq3A_376, %jit3A_377, %jit3A_374 : i32
      %rem3A_379 = arith.remsi %add3A_373, %select_n3A_378 : i32
      %ne3A_380 = arith.constant 0 : i32
      %ne3A_381 = arith.cmpi ne, %rem3A_379, %ne3A_380 : i32
      %lt3A_382 = arith.constant 0 : i32
      %lt3A_383 = arith.cmpi slt, %rem3A_379, %lt3A_382 : i32
      %lt3A_384 = arith.constant 0 : i32
      %lt3A_385 = arith.cmpi slt, %select_n3A_378, %lt3A_384 : i32
      %ne3A_386 = arith.xori %lt3A_383, %lt3A_385 : i1
      %and3A_387 = arith.andi %ne3A_386, %ne3A_381 : i1
      %add3A_388 = arith.addi %rem3A_379, %select_n3A_378 : i32
      %select_n3A_389 = arith.select %and3A_387, %add3A_388, %rem3A_379 : i32
      %get3A_390 = arith.constant 1 : i32
      %get3A_391 = arith.index_cast %select_n3A_371 : i32 to index
      %get3A_392 = arith.index_cast %get3A_390 : i32 to index
      %get3A_393 = arith.constant 0 : index
      %get3A_394 = tpu.vector_load %arg7[%get3A_391, %get3A_392, %get3A_393] {strides = array<i32>} : memref<4x2x128xi32, #tpu.memory_space<vmem>>, vector<16xi32>,
      tpu.vector_store_idx %arg10[%get3A_394], %broadcast_in_dim3A_37 {add = true} : memref<10240xf32, #tpu.memory_space<vmem>>[vector<16xi32>], vector<16xf32>,
      %get3A_395 = arith.constant 1 : i32
      %get3A_396 = arith.index_cast %select_n3A_371 : i32 to index
      %get3A_397 = arith.index_cast %get3A_395 : i32 to index
      %get3A_398 = arith.constant 16 : index
      %get3A_399 = tpu.vector_load %arg7[%get3A_396, %get3A_397, %get3A_398] {strides = array<i32>} : memref<4x2x128xi32, #tpu.memory_space<vmem>>, vector<16xi32>,
      tpu.vector_store_idx %arg10[%get3A_399], %broadcast_in_dim3A_37 {add = true} : memref<10240xf32, #tpu.memory_space<vmem>>[vector<16xi32>], vector<16xf32>,
      %get3A_400 = arith.constant 1 : i32
      %get3A_401 = arith.index_cast %select_n3A_371 : i32 to index
      %get3A_402 = arith.index_cast %get3A_400 : i32 to index
      %get3A_403 = arith.constant 32 : index
      %get3A_404 = tpu.vector_load %arg7[%get3A_401, %get3A_402, %get3A_403] {strides = array<i32>} : memref<4x2x128xi32, #tpu.memory_space<vmem>>, vector<16xi32>,
      tpu.vector_store_idx %arg10[%get3A_404], %broadcast_in_dim3A_37 {add = true} : memref<10240xf32, #tpu.memory_space<vmem>>[vector<16xi32>], vector<16xf32>,
      %get3A_405 = arith.constant 1 : i32
      %get3A_406 = arith.index_cast %select_n3A_371 : i32 to index
      %get3A_407 = arith.index_cast %get3A_405 : i32 to index
      %get3A_408 = arith.constant 48 : index
      %get3A_409 = tpu.vector_load %arg7[%get3A_406, %get3A_407, %get3A_408] {strides = array<i32>} : memref<4x2x128xi32, #tpu.memory_space<vmem>>, vector<16xi32>,
      tpu.vector_store_idx %arg10[%get3A_409], %broadcast_in_dim3A_37 {add = true} : memref<10240xf32, #tpu.memory_space<vmem>>[vector<16xi32>], vector<16xf32>,
      %get3A_410 = arith.constant 1 : i32
      %get3A_411 = arith.index_cast %select_n3A_371 : i32 to index
      %get3A_412 = arith.index_cast %get3A_410 : i32 to index
      %get3A_413 = arith.constant 64 : index
      %get3A_414 = tpu.vector_load %arg7[%get3A_411, %get3A_412, %get3A_413] {strides = array<i32>} : memref<4x2x128xi32, #tpu.memory_space<vmem>>, vector<16xi32>,
      tpu.vector_store_idx %arg10[%get3A_414], %broadcast_in_dim3A_37 {add = true} : memref<10240xf32, #tpu.memory_space<vmem>>[vector<16xi32>], vector<16xf32>,
      %get3A_415 = arith.constant 1 : i32
      %get3A_416 = arith.index_cast %select_n3A_371 : i32 to index
      %get3A_417 = arith.index_cast %get3A_415 : i32 to index
      %get3A_418 = arith.constant 80 : index
      %get3A_419 = tpu.vector_load %arg7[%get3A_416, %get3A_417, %get3A_418] {strides = array<i32>} : memref<4x2x128xi32, #tpu.memory_space<vmem>>, vector<16xi32>,
      tpu.vector_store_idx %arg10[%get3A_419], %broadcast_in_dim3A_37 {add = true} : memref<10240xf32, #tpu.memory_space<vmem>>[vector<16xi32>], vector<16xf32>,
      %get3A_420 = arith.constant 1 : i32
      %get3A_421 = arith.index_cast %select_n3A_371 : i32 to index
      %get3A_422 = arith.index_cast %get3A_420 : i32 to index
      %get3A_423 = arith.constant 96 : index
      %get3A_424 = tpu.vector_load %arg7[%get3A_421, %get3A_422, %get3A_423] {strides = array<i32>} : memref<4x2x128xi32, #tpu.memory_space<vmem>>, vector<16xi32>,
      tpu.vector_store_idx %arg10[%get3A_424], %broadcast_in_dim3A_37 {add = true} : memref<10240xf32, #tpu.memory_space<vmem>>[vector<16xi32>], vector<16xf32>,
      %get3A_425 = arith.constant 1 : i32
      %get3A_426 = arith.index_cast %select_n3A_371 : i32 to index
      %get3A_427 = arith.index_cast %get3A_425 : i32 to index
      %get3A_428 = arith.constant 112 : index
      %get3A_429 = tpu.vector_load %arg7[%get3A_426, %get3A_427, %get3A_428] {strides = array<i32>} : memref<4x2x128xi32, #tpu.memory_space<vmem>>, vector<16xi32>,
      tpu.vector_store_idx %arg10[%get3A_429], %broadcast_in_dim3A_37 {add = true} : memref<10240xf32, #tpu.memory_space<vmem>>[vector<16xi32>], vector<16xf32>,
      %eq3A_430 = arith.constant 0 : i32
      %eq3A_431 = arith.cmpi eq, %select_n3A_355, %eq3A_430 : i32
      %convert_element_type3A_432 = arith.extui %eq3A_431 : i1 to i32
      %cond3A_433 = arith.constant 0 : i32
      %cond3A_434 = arith.cmpi ne, %convert_element_type3A_432, %cond3A_433 : i32
      scf.if %cond3A_434 {
        %dma_wait3A = arith.constant 0 : i32
        %dma_wait3A_440 = arith.constant 0 : i32
        %dma_wait3A_441 = arith.constant 0 : i32
        %dma_wait3A_442 = arith.constant 0 : i32
        %dma_wait3A_443 = tpu.memref_slice %arg9[%dma_wait3A_440, %dma_wait3A_441, %dma_wait3A_442] : memref<2x128x128xf32, #tpu.memory_space<vmem>> -> memref<1x128x128xf32, #tpu.memory_space<vmem>>
        %dma_wait3A_444 = tpu.memref_squeeze %dma_wait3A_443 : memref<1x128x128xf32, #tpu.memory_space<vmem>> -> memref<128x128xf32, #tpu.memory_space<vmem>>
        %dma_wait3A_445 = arith.constant 0 : i32
        %dma_wait3A_446 = tpu.memref_slice %arg8[%dma_wait3A, %dma_wait3A_445] : memref<2x128xi32, #tpu.memory_space<vmem>> -> memref<1x128xi32, #tpu.memory_space<vmem>>
        %dma_wait3A_447 = tpu.memref_squeeze %dma_wait3A_446 : memref<1x128xi32, #tpu.memory_space<vmem>> -> memref<128xi32, #tpu.memory_space<vmem>>
        %dma_wait3A_448 = arith.constant 0 : i32
        %dma_wait3A_449 = arith.constant 0 : i32
        %dma_wait3A_450 = tpu.memref_slice %arg2[%dma_wait3A_448, %dma_wait3A_449] : memref<20000x128xf32, #tpu.memory_space<hbm>> -> memref<20000x128xf32, #tpu.memory_space<hbm>>
        tpu.wait_indirect_dma semaphore(%arg11 : memref<!tpu.dma_semaphore, #tpu.memory_space<semaphore_mem>>) src(%dma_wait3A_450 : memref<20000x128xf32, #tpu.memory_space<hbm>>) dst(%dma_wait3A_444 : memref<128x128xf32, #tpu.memory_space<vmem>>)
        %run_scoped3A_451 = arith.constant 0 : i32
        %run_scoped3A_452 = arith.constant 1 : i32
        "tpu.region"() ({
          %run_scoped3A_467 = tpu.sem_alloc : memref<!tpu.dma_semaphore, #tpu.memory_space<semaphore_mem>>
          %dma_start3A_468 = arith.constant 0 : i32
          %dma_start3A_469 = arith.constant 0 : i32
          %dma_start3A_470 = tpu.memref_slice %arg9[%run_scoped3A_451, %dma_start3A_468, %dma_start3A_469] : memref<2x128x128xf32, #tpu.memory_space<vmem>> -> memref<1x128x128xf32, #tpu.memory_space<vmem>>
          %dma_start3A_471 = tpu.memref_squeeze %dma_start3A_470 : memref<1x128x128xf32, #tpu.memory_space<vmem>> -> memref<128x128xf32, #tpu.memory_space<vmem>>
          %dma_start3A_472 = arith.constant 0 : i32
          %dma_start3A_473 = tpu.memref_slice %arg7[%select_n3A_371, %run_scoped3A_452, %dma_start3A_472] : memref<4x2x128xi32, #tpu.memory_space<vmem>> -> memref<1x1x128xi32, #tpu.memory_space<vmem>>
          %dma_start3A_474 = tpu.memref_squeeze %dma_start3A_473 : memref<1x1x128xi32, #tpu.memory_space<vmem>> -> memref<128xi32, #tpu.memory_space<vmem>>
          %dma_start3A_475 = arith.constant 0 : i32
          %dma_start3A_476 = arith.constant 0 : i32
          %dma_start3A_477 = tpu.memref_slice %arg6[%dma_start3A_475, %dma_start3A_476] : memref<10240x128xf32, #tpu.memory_space<vmem_shared>> -> memref<10240x128xf32, #tpu.memory_space<vmem_shared>>
          tpu.enqueue_indirect_dma source(%dma_start3A_471 : memref<128x128xf32, #tpu.memory_space<vmem>>) target(%dma_start3A_477 : memref<10240x128xf32, #tpu.memory_space<vmem_shared>>) offsets(%dma_start3A_474 : memref<128xi32, #tpu.memory_space<vmem>>) semaphore(%run_scoped3A_467 : memref<!tpu.dma_semaphore, #tpu.memory_space<semaphore_mem>>) {add = true}
          %dma_wait3A_478 = arith.constant 0 : i32
          %dma_wait3A_479 = arith.constant 0 : i32
          %dma_wait3A_480 = tpu.memref_slice %arg9[%run_scoped3A_451, %dma_wait3A_478, %dma_wait3A_479] : memref<2x128x128xf32, #tpu.memory_space<vmem>> -> memref<1x128x128xf32, #tpu.memory_space<vmem>>
          %dma_wait3A_481 = tpu.memref_squeeze %dma_wait3A_480 : memref<1x128x128xf32, #tpu.memory_space<vmem>> -> memref<128x128xf32, #tpu.memory_space<vmem>>
          %dma_wait3A_482 = arith.constant 0 : i32
          %dma_wait3A_483 = tpu.memref_slice %arg7[%select_n3A_371, %run_scoped3A_452, %dma_wait3A_482] : memref<4x2x128xi32, #tpu.memory_space<vmem>> -> memref<1x1x128xi32, #tpu.memory_space<vmem>>
          %dma_wait3A_484 = tpu.memref_squeeze %dma_wait3A_483 : memref<1x1x128xi32, #tpu.memory_space<vmem>> -> memref<128xi32, #tpu.memory_space<vmem>>
          %dma_wait3A_485 = arith.constant 0 : i32
          %dma_wait3A_486 = arith.constant 0 : i32
          %dma_wait3A_487 = tpu.memref_slice %arg6[%dma_wait3A_485, %dma_wait3A_486] : memref<10240x128xf32, #tpu.memory_space<vmem_shared>> -> memref<10240x128xf32, #tpu.memory_space<vmem_shared>>
          tpu.wait_indirect_dma semaphore(%run_scoped3A_467 : memref<!tpu.dma_semaphore, #tpu.memory_space<semaphore_mem>>) src(%dma_wait3A_481 : memref<128x128xf32, #tpu.memory_space<vmem>>) dst(%dma_wait3A_487 : memref<10240x128xf32, #tpu.memory_space<vmem_shared>>)
          tpu.yield
        }) : () -> ()
        %add3A_453 = arith.constant 2 : i32
        %add3A_454 = arith.addi %scan3A_345, %add3A_453 : i32
        %lt3A_455 = arith.constant 80 : i32
        %lt3A_456 = arith.cmpi slt, %add3A_454, %lt3A_455 : i32
        %convert_element_type3A_457 = arith.extui %lt3A_456 : i1 to i32
        %cond3A_458 = arith.constant 0 : i32
        %cond3A_459 = arith.cmpi ne, %convert_element_type3A_457, %cond3A_458 : i32
        scf.if %cond3A_459 {
          %add3A_467 = arith.addi %mul3A_0, %scan3A_345 : i32
          %add3A_468 = arith.constant 2 : i32
          %add3A_469 = arith.addi %add3A_467, %add3A_468 : i32
          %dma_wait3A_470 = arith.constant 0 : i32
          %dma_wait3A_471 = arith.constant 0 : i32
          %dma_wait3A_472 = tpu.memref_slice %arg7[%select_n3A_389, %dma_wait3A_470, %dma_wait3A_471] : memref<4x2x128xi32, #tpu.memory_space<vmem>> -> memref<1x2x128xi32, #tpu.memory_space<vmem>>
          %dma_wait3A_473 = arith.constant 0 : i32
          %dma_wait3A_474 = arith.constant 0 : i32
          %dma_wait3A_475 = tpu.memref_slice %arg3[%add3A_469, %dma_wait3A_473, %dma_wait3A_474] : memref<1280x2x128xi32, #tpu.memory_space<hbm>> -> memref<1x2x128xi32, #tpu.memory_space<hbm>>
          %dma_wait3A_476 = arith.constant 0 : i32
          %dma_wait3A_477 = arith.constant 0 : i32
          %dma_wait3A_478 = tpu.memref_slice %arg7[%select_n3A_389, %dma_wait3A_476, %dma_wait3A_477] : memref<4x2x128xi32, #tpu.memory_space<vmem>> -> memref<1x2x128xi32, #tpu.memory_space<vmem>>
          %dma_wait3A_479 = arith.constant 0 : i32
          %dma_wait3A_480 = arith.constant 0 : i32
          %dma_wait3A_481 = tpu.memref_slice %arg3[%add3A_469, %dma_wait3A_479, %dma_wait3A_480] : memref<1280x2x128xi32, #tpu.memory_space<hbm>> -> memref<1x2x128xi32, #tpu.memory_space<hbm>>
          tpu.wait_dma2 semaphore(%arg13 : memref<!tpu.dma_semaphore, #tpu.memory_space<semaphore_mem>>) src(%dma_wait3A_481 : memref<1x2x128xi32, #tpu.memory_space<hbm>>) dst(%dma_wait3A_478 : memref<1x2x128xi32, #tpu.memory_space<vmem>>)
          %get3A_482 = arith.constant 0 : i32
          %get3A_483 = arith.index_cast %select_n3A_389 : i32 to index
          %get3A_484 = arith.index_cast %get3A_482 : i32 to index
          %get3A_485 = arith.constant 0 : index
          %get3A_486 = tpu.vector_load %arg7[%get3A_483, %get3A_484, %get3A_485] {strides = array<i32>} : memref<4x2x128xi32, #tpu.memory_space<vmem>>, vector<16xi32>,
          %mul3A_487 = arith.constant 2 : i32
          %mul3A_488 = vector.broadcast %mul3A_487 : i32 to vector<16xi32>
          %mul3A_489 = arith.muli %get3A_486, %mul3A_488 : vector<16xi32>
          %add3A_490 = vector.broadcast %arg0 : i32 to vector<16xi32>
          %add3A_491 = arith.addi %mul3A_489, %add3A_490 : vector<16xi32>
          %swap3A_492 = arith.constant 0 : i32
          %swap3A_493 = arith.index_cast %swap3A_492 : i32 to index
          %swap3A_494 = arith.constant 0 : index
          %swap3A_495 = tpu.vector_load %arg8[%swap3A_493, %swap3A_494] {strides = array<i32>} : memref<2x128xi32, #tpu.memory_space<vmem>>, vector<16xi32>,
          tpu.vector_store %arg8[%swap3A_493, %swap3A_494], %add3A_491 {strides = array<i32>} : memref<2x128xi32, #tpu.memory_space<vmem>>, vector<16xi32>,
          %get3A_496 = arith.constant 0 : i32
          %get3A_497 = arith.index_cast %select_n3A_389 : i32 to index
          %get3A_498 = arith.index_cast %get3A_496 : i32 to index
          %get3A_499 = arith.constant 16 : index
          %get3A_500 = tpu.vector_load %arg7[%get3A_497, %get3A_498, %get3A_499] {strides = array<i32>} : memref<4x2x128xi32, #tpu.memory_space<vmem>>, vector<16xi32>,
          %mul3A_501 = arith.constant 2 : i32
          %mul3A_502 = vector.broadcast %mul3A_501 : i32 to vector<16xi32>
          %mul3A_503 = arith.muli %get3A_500, %mul3A_502 : vector<16xi32>
          %add3A_504 = vector.broadcast %arg0 : i32 to vector<16xi32>
          %add3A_505 = arith.addi %mul3A_503, %add3A_504 : vector<16xi32>
          %swap3A_506 = arith.constant 0 : i32
          %swap3A_507 = arith.index_cast %swap3A_506 : i32 to index
          %swap3A_508 = arith.constant 16 : index
          %swap3A_509 = tpu.vector_load %arg8[%swap3A_507, %swap3A_508] {strides = array<i32>} : memref<2x128xi32, #tpu.memory_space<vmem>>, vector<16xi32>,
          tpu.vector_store %arg8[%swap3A_507, %swap3A_508], %add3A_505 {strides = array<i32>} : memref<2x128xi32, #tpu.memory_space<vmem>>, vector<16xi32>,
          %get3A_510 = arith.constant 0 : i32
          %get3A_511 = arith.index_cast %select_n3A_389 : i32 to index
          %get3A_512 = arith.index_cast %get3A_510 : i32 to index
          %get3A_513 = arith.constant 32 : index
          %get3A_514 = tpu.vector_load %arg7[%get3A_511, %get3A_512, %get3A_513] {strides = array<i32>} : memref<4x2x128xi32, #tpu.memory_space<vmem>>, vector<16xi32>,
          %mul3A_515 = arith.constant 2 : i32
          %mul3A_516 = vector.broadcast %mul3A_515 : i32 to vector<16xi32>
          %mul3A_517 = arith.muli %get3A_514, %mul3A_516 : vector<16xi32>
          %add3A_518 = vector.broadcast %arg0 : i32 to vector<16xi32>
          %add3A_519 = arith.addi %mul3A_517, %add3A_518 : vector<16xi32>
          %swap3A_520 = arith.constant 0 : i32
          %swap3A_521 = arith.index_cast %swap3A_520 : i32 to index
          %swap3A_522 = arith.constant 32 : index
          %swap3A_523 = tpu.vector_load %arg8[%swap3A_521, %swap3A_522] {strides = array<i32>} : memref<2x128xi32, #tpu.memory_space<vmem>>, vector<16xi32>,
          tpu.vector_store %arg8[%swap3A_521, %swap3A_522], %add3A_519 {strides = array<i32>} : memref<2x128xi32, #tpu.memory_space<vmem>>, vector<16xi32>,
          %get3A_524 = arith.constant 0 : i32
          %get3A_525 = arith.index_cast %select_n3A_389 : i32 to index
          %get3A_526 = arith.index_cast %get3A_524 : i32 to index
          %get3A_527 = arith.constant 48 : index
          %get3A_528 = tpu.vector_load %arg7[%get3A_525, %get3A_526, %get3A_527] {strides = array<i32>} : memref<4x2x128xi32, #tpu.memory_space<vmem>>, vector<16xi32>,
          %mul3A_529 = arith.constant 2 : i32
          %mul3A_530 = vector.broadcast %mul3A_529 : i32 to vector<16xi32>
          %mul3A_531 = arith.muli %get3A_528, %mul3A_530 : vector<16xi32>
          %add3A_532 = vector.broadcast %arg0 : i32 to vector<16xi32>
          %add3A_533 = arith.addi %mul3A_531, %add3A_532 : vector<16xi32>
          %swap3A_534 = arith.constant 0 : i32
          %swap3A_535 = arith.index_cast %swap3A_534 : i32 to index
          %swap3A_536 = arith.constant 48 : index
          %swap3A_537 = tpu.vector_load %arg8[%swap3A_535, %swap3A_536] {strides = array<i32>} : memref<2x128xi32, #tpu.memory_space<vmem>>, vector<16xi32>,
          tpu.vector_store %arg8[%swap3A_535, %swap3A_536], %add3A_533 {strides = array<i32>} : memref<2x128xi32, #tpu.memory_space<vmem>>, vector<16xi32>,
          %get3A_538 = arith.constant 0 : i32
          %get3A_539 = arith.index_cast %select_n3A_389 : i32 to index
          %get3A_540 = arith.index_cast %get3A_538 : i32 to index
          %get3A_541 = arith.constant 64 : index
          %get3A_542 = tpu.vector_load %arg7[%get3A_539, %get3A_540, %get3A_541] {strides = array<i32>} : memref<4x2x128xi32, #tpu.memory_space<vmem>>, vector<16xi32>,
          %mul3A_543 = arith.constant 2 : i32
          %mul3A_544 = vector.broadcast %mul3A_543 : i32 to vector<16xi32>
          %mul3A_545 = arith.muli %get3A_542, %mul3A_544 : vector<16xi32>
          %add3A_546 = vector.broadcast %arg0 : i32 to vector<16xi32>
          %add3A_547 = arith.addi %mul3A_545, %add3A_546 : vector<16xi32>
          %swap3A_548 = arith.constant 0 : i32
          %swap3A_549 = arith.index_cast %swap3A_548 : i32 to index
          %swap3A_550 = arith.constant 64 : index
          %swap3A_551 = tpu.vector_load %arg8[%swap3A_549, %swap3A_550] {strides = array<i32>} : memref<2x128xi32, #tpu.memory_space<vmem>>, vector<16xi32>,
          tpu.vector_store %arg8[%swap3A_549, %swap3A_550], %add3A_547 {strides = array<i32>} : memref<2x128xi32, #tpu.memory_space<vmem>>, vector<16xi32>,
          %get3A_552 = arith.constant 0 : i32
          %get3A_553 = arith.index_cast %select_n3A_389 : i32 to index
          %get3A_554 = arith.index_cast %get3A_552 : i32 to index
          %get3A_555 = arith.constant 80 : index
          %get3A_556 = tpu.vector_load %arg7[%get3A_553, %get3A_554, %get3A_555] {strides = array<i32>} : memref<4x2x128xi32, #tpu.memory_space<vmem>>, vector<16xi32>,
          %mul3A_557 = arith.constant 2 : i32
          %mul3A_558 = vector.broadcast %mul3A_557 : i32 to vector<16xi32>
          %mul3A_559 = arith.muli %get3A_556, %mul3A_558 : vector<16xi32>
          %add3A_560 = vector.broadcast %arg0 : i32 to vector<16xi32>
          %add3A_561 = arith.addi %mul3A_559, %add3A_560 : vector<16xi32>
          %swap3A_562 = arith.constant 0 : i32
          %swap3A_563 = arith.index_cast %swap3A_562 : i32 to index
          %swap3A_564 = arith.constant 80 : index
          %swap3A_565 = tpu.vector_load %arg8[%swap3A_563, %swap3A_564] {strides = array<i32>} : memref<2x128xi32, #tpu.memory_space<vmem>>, vector<16xi32>,
          tpu.vector_store %arg8[%swap3A_563, %swap3A_564], %add3A_561 {strides = array<i32>} : memref<2x128xi32, #tpu.memory_space<vmem>>, vector<16xi32>,
          %get3A_566 = arith.constant 0 : i32
          %get3A_567 = arith.index_cast %select_n3A_389 : i32 to index
          %get3A_568 = arith.index_cast %get3A_566 : i32 to index
          %get3A_569 = arith.constant 96 : index
          %get3A_570 = tpu.vector_load %arg7[%get3A_567, %get3A_568, %get3A_569] {strides = array<i32>} : memref<4x2x128xi32, #tpu.memory_space<vmem>>, vector<16xi32>,
          %mul3A_571 = arith.constant 2 : i32
          %mul3A_572 = vector.broadcast %mul3A_571 : i32 to vector<16xi32>
          %mul3A_573 = arith.muli %get3A_570, %mul3A_572 : vector<16xi32>
          %add3A_574 = vector.broadcast %arg0 : i32 to vector<16xi32>
          %add3A_575 = arith.addi %mul3A_573, %add3A_574 : vector<16xi32>
          %swap3A_576 = arith.constant 0 : i32
          %swap3A_577 = arith.index_cast %swap3A_576 : i32 to index
          %swap3A_578 = arith.constant 96 : index
          %swap3A_579 = tpu.vector_load %arg8[%swap3A_577, %swap3A_578] {strides = array<i32>} : memref<2x128xi32, #tpu.memory_space<vmem>>, vector<16xi32>,
          tpu.vector_store %arg8[%swap3A_577, %swap3A_578], %add3A_575 {strides = array<i32>} : memref<2x128xi32, #tpu.memory_space<vmem>>, vector<16xi32>,
          %get3A_580 = arith.constant 0 : i32
          %get3A_581 = arith.index_cast %select_n3A_389 : i32 to index
          %get3A_582 = arith.index_cast %get3A_580 : i32 to index
          %get3A_583 = arith.constant 112 : index
          %get3A_584 = tpu.vector_load %arg7[%get3A_581, %get3A_582, %get3A_583] {strides = array<i32>} : memref<4x2x128xi32, #tpu.memory_space<vmem>>, vector<16xi32>,
          %mul3A_585 = arith.constant 2 : i32
          %mul3A_586 = vector.broadcast %mul3A_585 : i32 to vector<16xi32>
          %mul3A_587 = arith.muli %get3A_584, %mul3A_586 : vector<16xi32>
          %add3A_588 = vector.broadcast %arg0 : i32 to vector<16xi32>
          %add3A_589 = arith.addi %mul3A_587, %add3A_588 : vector<16xi32>
          %swap3A_590 = arith.constant 0 : i32
          %swap3A_591 = arith.index_cast %swap3A_590 : i32 to index
          %swap3A_592 = arith.constant 112 : index
          %swap3A_593 = tpu.vector_load %arg8[%swap3A_591, %swap3A_592] {strides = array<i32>} : memref<2x128xi32, #tpu.memory_space<vmem>>, vector<16xi32>,
          tpu.vector_store %arg8[%swap3A_591, %swap3A_592], %add3A_589 {strides = array<i32>} : memref<2x128xi32, #tpu.memory_space<vmem>>, vector<16xi32>,
          %dma_start3A_594 = arith.constant 0 : i32
          %dma_start3A_595 = arith.constant 0 : i32
          %dma_start3A_596 = arith.constant 0 : i32
          %dma_start3A_597 = arith.constant 0 : i32
          %dma_start3A_598 = tpu.memref_slice %arg9[%dma_start3A_595, %dma_start3A_596, %dma_start3A_597] : memref<2x128x128xf32, #tpu.memory_space<vmem>> -> memref<1x128x128xf32, #tpu.memory_space<vmem>>
          %dma_start3A_599 = tpu.memref_squeeze %dma_start3A_598 : memref<1x128x128xf32, #tpu.memory_space<vmem>> -> memref<128x128xf32, #tpu.memory_space<vmem>>
          %dma_start3A_600 = arith.constant 0 : i32
          %dma_start3A_601 = tpu.memref_slice %arg8[%dma_start3A_594, %dma_start3A_600] : memref<2x128xi32, #tpu.memory_space<vmem>> -> memref<1x128xi32, #tpu.memory_space<vmem>>
          %dma_start3A_602 = tpu.memref_squeeze %dma_start3A_601 : memref<1x128xi32, #tpu.memory_space<vmem>> -> memref<128xi32, #tpu.memory_space<vmem>>
          %dma_start3A_603 = arith.constant 0 : i32
          %dma_start3A_604 = arith.constant 0 : i32
          %dma_start3A_605 = tpu.memref_slice %arg2[%dma_start3A_603, %dma_start3A_604] : memref<20000x128xf32, #tpu.memory_space<hbm>> -> memref<20000x128xf32, #tpu.memory_space<hbm>>
          tpu.enqueue_indirect_dma source(%dma_start3A_605 : memref<20000x128xf32, #tpu.memory_space<hbm>>) target(%dma_start3A_599 : memref<128x128xf32, #tpu.memory_space<vmem>>) offsets(%dma_start3A_602 : memref<128xi32, #tpu.memory_space<vmem>>) semaphore(%arg11 : memref<!tpu.dma_semaphore, #tpu.memory_space<semaphore_mem>>)
        } else {
        }
        %add3A_460 = arith.constant 4 : i32
        %add3A_461 = arith.addi %scan3A_345, %add3A_460 : i32
        %lt3A_462 = arith.constant 80 : i32
        %lt3A_463 = arith.cmpi slt, %add3A_461, %lt3A_462 : i32
        %convert_element_type3A_464 = arith.extui %lt3A_463 : i1 to i32
        %cond3A_465 = arith.constant 0 : i32
        %cond3A_466 = arith.cmpi ne, %convert_element_type3A_464, %cond3A_465 : i32
        scf.if %cond3A_466 {
          %add3A_467 = arith.addi %mul3A_0, %scan3A_345 : i32
          %add3A_468 = arith.constant 4 : i32
          %add3A_469 = arith.addi %add3A_467, %add3A_468 : i32
          %dma_start3A_470 = arith.constant 0 : i32
          %dma_start3A_471 = arith.constant 0 : i32
          %dma_start3A_472 = tpu.memref_slice %arg7[%select_n3A_371, %dma_start3A_470, %dma_start3A_471] : memref<4x2x128xi32, #tpu.memory_space<vmem>> -> memref<1x2x128xi32, #tpu.memory_space<vmem>>
          %dma_start3A_473 = arith.constant 0 : i32
          %dma_start3A_474 = arith.constant 0 : i32
          %dma_start3A_475 = tpu.memref_slice %arg3[%add3A_469, %dma_start3A_473, %dma_start3A_474] : memref<1280x2x128xi32, #tpu.memory_space<hbm>> -> memref<1x2x128xi32, #tpu.memory_space<hbm>>
          %dma_start3A_476 = arith.constant 0 : i32
          %dma_start3A_477 = arith.constant 0 : i32
          %dma_start3A_478 = tpu.memref_slice %arg7[%select_n3A_371, %dma_start3A_476, %dma_start3A_477] : memref<4x2x128xi32, #tpu.memory_space<vmem>> -> memref<1x2x128xi32, #tpu.memory_space<vmem>>
          %dma_start3A_479 = arith.constant 0 : i32
          %dma_start3A_480 = arith.constant 0 : i32
          %dma_start3A_481 = tpu.memref_slice %arg3[%add3A_469, %dma_start3A_479, %dma_start3A_480] : memref<1280x2x128xi32, #tpu.memory_space<hbm>> -> memref<1x2x128xi32, #tpu.memory_space<hbm>>
          tpu.enqueue_dma source(%dma_start3A_481 : memref<1x2x128xi32, #tpu.memory_space<hbm>>) target(%dma_start3A_478 : memref<1x2x128xi32, #tpu.memory_space<vmem>>) target_semaphore(%arg13 : memref<!tpu.dma_semaphore, #tpu.memory_space<semaphore_mem>>)
        } else {
        }
      } else {
      }
      %eq3A_435 = arith.constant 1 : i32
      %eq3A_436 = arith.cmpi eq, %select_n3A_355, %eq3A_435 : i32
      %convert_element_type3A_437 = arith.extui %eq3A_436 : i1 to i32
      %cond3A_438 = arith.constant 0 : i32
      %cond3A_439 = arith.cmpi ne, %convert_element_type3A_437, %cond3A_438 : i32
      scf.if %cond3A_439 {
        %dma_wait3A = arith.constant 1 : i32
        %dma_wait3A_440 = arith.constant 1 : i32
        %dma_wait3A_441 = arith.constant 0 : i32
        %dma_wait3A_442 = arith.constant 0 : i32
        %dma_wait3A_443 = tpu.memref_slice %arg9[%dma_wait3A_440, %dma_wait3A_441, %dma_wait3A_442] : memref<2x128x128xf32, #tpu.memory_space<vmem>> -> memref<1x128x128xf32, #tpu.memory_space<vmem>>
        %dma_wait3A_444 = tpu.memref_squeeze %dma_wait3A_443 : memref<1x128x128xf32, #tpu.memory_space<vmem>> -> memref<128x128xf32, #tpu.memory_space<vmem>>
        %dma_wait3A_445 = arith.constant 0 : i32
        %dma_wait3A_446 = tpu.memref_slice %arg8[%dma_wait3A, %dma_wait3A_445] : memref<2x128xi32, #tpu.memory_space<vmem>> -> memref<1x128xi32, #tpu.memory_space<vmem>>
        %dma_wait3A_447 = tpu.memref_squeeze %dma_wait3A_446 : memref<1x128xi32, #tpu.memory_space<vmem>> -> memref<128xi32, #tpu.memory_space<vmem>>
        %dma_wait3A_448 = arith.constant 0 : i32
        %dma_wait3A_449 = arith.constant 0 : i32
        %dma_wait3A_450 = tpu.memref_slice %arg2[%dma_wait3A_448, %dma_wait3A_449] : memref<20000x128xf32, #tpu.memory_space<hbm>> -> memref<20000x128xf32, #tpu.memory_space<hbm>>
        tpu.wait_indirect_dma semaphore(%arg12 : memref<!tpu.dma_semaphore, #tpu.memory_space<semaphore_mem>>) src(%dma_wait3A_450 : memref<20000x128xf32, #tpu.memory_space<hbm>>) dst(%dma_wait3A_444 : memref<128x128xf32, #tpu.memory_space<vmem>>)
        %run_scoped3A_451 = arith.constant 1 : i32
        %run_scoped3A_452 = arith.constant 1 : i32
        "tpu.region"() ({
          %run_scoped3A_467 = tpu.sem_alloc : memref<!tpu.dma_semaphore, #tpu.memory_space<semaphore_mem>>
          %dma_start3A_468 = arith.constant 0 : i32
          %dma_start3A_469 = arith.constant 0 : i32
          %dma_start3A_470 = tpu.memref_slice %arg9[%run_scoped3A_451, %dma_start3A_468, %dma_start3A_469] : memref<2x128x128xf32, #tpu.memory_space<vmem>> -> memref<1x128x128xf32, #tpu.memory_space<vmem>>
          %dma_start3A_471 = tpu.memref_squeeze %dma_start3A_470 : memref<1x128x128xf32, #tpu.memory_space<vmem>> -> memref<128x128xf32, #tpu.memory_space<vmem>>
          %dma_start3A_472 = arith.constant 0 : i32
          %dma_start3A_473 = tpu.memref_slice %arg7[%select_n3A_371, %run_scoped3A_452, %dma_start3A_472] : memref<4x2x128xi32, #tpu.memory_space<vmem>> -> memref<1x1x128xi32, #tpu.memory_space<vmem>>
          %dma_start3A_474 = tpu.memref_squeeze %dma_start3A_473 : memref<1x1x128xi32, #tpu.memory_space<vmem>> -> memref<128xi32, #tpu.memory_space<vmem>>
          %dma_start3A_475 = arith.constant 0 : i32
          %dma_start3A_476 = arith.constant 0 : i32
          %dma_start3A_477 = tpu.memref_slice %arg6[%dma_start3A_475, %dma_start3A_476] : memref<10240x128xf32, #tpu.memory_space<vmem_shared>> -> memref<10240x128xf32, #tpu.memory_space<vmem_shared>>
          tpu.enqueue_indirect_dma source(%dma_start3A_471 : memref<128x128xf32, #tpu.memory_space<vmem>>) target(%dma_start3A_477 : memref<10240x128xf32, #tpu.memory_space<vmem_shared>>) offsets(%dma_start3A_474 : memref<128xi32, #tpu.memory_space<vmem>>) semaphore(%run_scoped3A_467 : memref<!tpu.dma_semaphore, #tpu.memory_space<semaphore_mem>>) {add = true}
          %dma_wait3A_478 = arith.constant 0 : i32
          %dma_wait3A_479 = arith.constant 0 : i32
          %dma_wait3A_480 = tpu.memref_slice %arg9[%run_scoped3A_451, %dma_wait3A_478, %dma_wait3A_479] : memref<2x128x128xf32, #tpu.memory_space<vmem>> -> memref<1x128x128xf32, #tpu.memory_space<vmem>>
          %dma_wait3A_481 = tpu.memref_squeeze %dma_wait3A_480 : memref<1x128x128xf32, #tpu.memory_space<vmem>> -> memref<128x128xf32, #tpu.memory_space<vmem>>
          %dma_wait3A_482 = arith.constant 0 : i32
          %dma_wait3A_483 = tpu.memref_slice %arg7[%select_n3A_371, %run_scoped3A_452, %dma_wait3A_482] : memref<4x2x128xi32, #tpu.memory_space<vmem>> -> memref<1x1x128xi32, #tpu.memory_space<vmem>>
          %dma_wait3A_484 = tpu.memref_squeeze %dma_wait3A_483 : memref<1x1x128xi32, #tpu.memory_space<vmem>> -> memref<128xi32, #tpu.memory_space<vmem>>
          %dma_wait3A_485 = arith.constant 0 : i32
          %dma_wait3A_486 = arith.constant 0 : i32
          %dma_wait3A_487 = tpu.memref_slice %arg6[%dma_wait3A_485, %dma_wait3A_486] : memref<10240x128xf32, #tpu.memory_space<vmem_shared>> -> memref<10240x128xf32, #tpu.memory_space<vmem_shared>>
          tpu.wait_indirect_dma semaphore(%run_scoped3A_467 : memref<!tpu.dma_semaphore, #tpu.memory_space<semaphore_mem>>) src(%dma_wait3A_481 : memref<128x128xf32, #tpu.memory_space<vmem>>) dst(%dma_wait3A_487 : memref<10240x128xf32, #tpu.memory_space<vmem_shared>>)
          tpu.yield
        }) : () -> ()
        %add3A_453 = arith.constant 2 : i32
        %add3A_454 = arith.addi %scan3A_345, %add3A_453 : i32
        %lt3A_455 = arith.constant 80 : i32
        %lt3A_456 = arith.cmpi slt, %add3A_454, %lt3A_455 : i32
        %convert_element_type3A_457 = arith.extui %lt3A_456 : i1 to i32
        %cond3A_458 = arith.constant 0 : i32
        %cond3A_459 = arith.cmpi ne, %convert_element_type3A_457, %cond3A_458 : i32
        scf.if %cond3A_459 {
          %add3A_467 = arith.addi %mul3A_0, %scan3A_345 : i32
          %add3A_468 = arith.constant 2 : i32
          %add3A_469 = arith.addi %add3A_467, %add3A_468 : i32
          %dma_wait3A_470 = arith.constant 0 : i32
          %dma_wait3A_471 = arith.constant 0 : i32
          %dma_wait3A_472 = tpu.memref_slice %arg7[%select_n3A_389, %dma_wait3A_470, %dma_wait3A_471] : memref<4x2x128xi32, #tpu.memory_space<vmem>> -> memref<1x2x128xi32, #tpu.memory_space<vmem>>
          %dma_wait3A_473 = arith.constant 0 : i32
          %dma_wait3A_474 = arith.constant 0 : i32
          %dma_wait3A_475 = tpu.memref_slice %arg3[%add3A_469, %dma_wait3A_473, %dma_wait3A_474] : memref<1280x2x128xi32, #tpu.memory_space<hbm>> -> memref<1x2x128xi32, #tpu.memory_space<hbm>>
          %dma_wait3A_476 = arith.constant 0 : i32
          %dma_wait3A_477 = arith.constant 0 : i32
          %dma_wait3A_478 = tpu.memref_slice %arg7[%select_n3A_389, %dma_wait3A_476, %dma_wait3A_477] : memref<4x2x128xi32, #tpu.memory_space<vmem>> -> memref<1x2x128xi32, #tpu.memory_space<vmem>>
          %dma_wait3A_479 = arith.constant 0 : i32
          %dma_wait3A_480 = arith.constant 0 : i32
          %dma_wait3A_481 = tpu.memref_slice %arg3[%add3A_469, %dma_wait3A_479, %dma_wait3A_480] : memref<1280x2x128xi32, #tpu.memory_space<hbm>> -> memref<1x2x128xi32, #tpu.memory_space<hbm>>
          tpu.wait_dma2 semaphore(%arg14 : memref<!tpu.dma_semaphore, #tpu.memory_space<semaphore_mem>>) src(%dma_wait3A_481 : memref<1x2x128xi32, #tpu.memory_space<hbm>>) dst(%dma_wait3A_478 : memref<1x2x128xi32, #tpu.memory_space<vmem>>)
          %get3A_482 = arith.constant 0 : i32
          %get3A_483 = arith.index_cast %select_n3A_389 : i32 to index
          %get3A_484 = arith.index_cast %get3A_482 : i32 to index
          %get3A_485 = arith.constant 0 : index
          %get3A_486 = tpu.vector_load %arg7[%get3A_483, %get3A_484, %get3A_485] {strides = array<i32>} : memref<4x2x128xi32, #tpu.memory_space<vmem>>, vector<16xi32>,
          %mul3A_487 = arith.constant 2 : i32
          %mul3A_488 = vector.broadcast %mul3A_487 : i32 to vector<16xi32>
          %mul3A_489 = arith.muli %get3A_486, %mul3A_488 : vector<16xi32>
          %add3A_490 = vector.broadcast %arg0 : i32 to vector<16xi32>
          %add3A_491 = arith.addi %mul3A_489, %add3A_490 : vector<16xi32>
          %swap3A_492 = arith.constant 1 : i32
          %swap3A_493 = arith.index_cast %swap3A_492 : i32 to index
          %swap3A_494 = arith.constant 0 : index
          %swap3A_495 = tpu.vector_load %arg8[%swap3A_493, %swap3A_494] {strides = array<i32>} : memref<2x128xi32, #tpu.memory_space<vmem>>, vector<16xi32>,
          tpu.vector_store %arg8[%swap3A_493, %swap3A_494], %add3A_491 {strides = array<i32>} : memref<2x128xi32, #tpu.memory_space<vmem>>, vector<16xi32>,
          %get3A_496 = arith.constant 0 : i32
          %get3A_497 = arith.index_cast %select_n3A_389 : i32 to index
          %get3A_498 = arith.index_cast %get3A_496 : i32 to index
          %get3A_499 = arith.constant 16 : index
          %get3A_500 = tpu.vector_load %arg7[%get3A_497, %get3A_498, %get3A_499] {strides = array<i32>} : memref<4x2x128xi32, #tpu.memory_space<vmem>>, vector<16xi32>,
          %mul3A_501 = arith.constant 2 : i32
          %mul3A_502 = vector.broadcast %mul3A_501 : i32 to vector<16xi32>
          %mul3A_503 = arith.muli %get3A_500, %mul3A_502 : vector<16xi32>
          %add3A_504 = vector.broadcast %arg0 : i32 to vector<16xi32>
          %add3A_505 = arith.addi %mul3A_503, %add3A_504 : vector<16xi32>
          %swap3A_506 = arith.constant 1 : i32
          %swap3A_507 = arith.index_cast %swap3A_506 : i32 to index
          %swap3A_508 = arith.constant 16 : index
          %swap3A_509 = tpu.vector_load %arg8[%swap3A_507, %swap3A_508] {strides = array<i32>} : memref<2x128xi32, #tpu.memory_space<vmem>>, vector<16xi32>,
          tpu.vector_store %arg8[%swap3A_507, %swap3A_508], %add3A_505 {strides = array<i32>} : memref<2x128xi32, #tpu.memory_space<vmem>>, vector<16xi32>,
          %get3A_510 = arith.constant 0 : i32
          %get3A_511 = arith.index_cast %select_n3A_389 : i32 to index
          %get3A_512 = arith.index_cast %get3A_510 : i32 to index
          %get3A_513 = arith.constant 32 : index
          %get3A_514 = tpu.vector_load %arg7[%get3A_511, %get3A_512, %get3A_513] {strides = array<i32>} : memref<4x2x128xi32, #tpu.memory_space<vmem>>, vector<16xi32>,
          %mul3A_515 = arith.constant 2 : i32
          %mul3A_516 = vector.broadcast %mul3A_515 : i32 to vector<16xi32>
          %mul3A_517 = arith.muli %get3A_514, %mul3A_516 : vector<16xi32>
          %add3A_518 = vector.broadcast %arg0 : i32 to vector<16xi32>
          %add3A_519 = arith.addi %mul3A_517, %add3A_518 : vector<16xi32>
          %swap3A_520 = arith.constant 1 : i32
          %swap3A_521 = arith.index_cast %swap3A_520 : i32 to index
          %swap3A_522 = arith.constant 32 : index
          %swap3A_523 = tpu.vector_load %arg8[%swap3A_521, %swap3A_522] {strides = array<i32>} : memref<2x128xi32, #tpu.memory_space<vmem>>, vector<16xi32>,
          tpu.vector_store %arg8[%swap3A_521, %swap3A_522], %add3A_519 {strides = array<i32>} : memref<2x128xi32, #tpu.memory_space<vmem>>, vector<16xi32>,
          %get3A_524 = arith.constant 0 : i32
          %get3A_525 = arith.index_cast %select_n3A_389 : i32 to index
          %get3A_526 = arith.index_cast %get3A_524 : i32 to index
          %get3A_527 = arith.constant 48 : index
          %get3A_528 = tpu.vector_load %arg7[%get3A_525, %get3A_526, %get3A_527] {strides = array<i32>} : memref<4x2x128xi32, #tpu.memory_space<vmem>>, vector<16xi32>,
          %mul3A_529 = arith.constant 2 : i32
          %mul3A_530 = vector.broadcast %mul3A_529 : i32 to vector<16xi32>
          %mul3A_531 = arith.muli %get3A_528, %mul3A_530 : vector<16xi32>
          %add3A_532 = vector.broadcast %arg0 : i32 to vector<16xi32>
          %add3A_533 = arith.addi %mul3A_531, %add3A_532 : vector<16xi32>
          %swap3A_534 = arith.constant 1 : i32
          %swap3A_535 = arith.index_cast %swap3A_534 : i32 to index
          %swap3A_536 = arith.constant 48 : index
          %swap3A_537 = tpu.vector_load %arg8[%swap3A_535, %swap3A_536] {strides = array<i32>} : memref<2x128xi32, #tpu.memory_space<vmem>>, vector<16xi32>,
          tpu.vector_store %arg8[%swap3A_535, %swap3A_536], %add3A_533 {strides = array<i32>} : memref<2x128xi32, #tpu.memory_space<vmem>>, vector<16xi32>,
          %get3A_538 = arith.constant 0 : i32
          %get3A_539 = arith.index_cast %select_n3A_389 : i32 to index
          %get3A_540 = arith.index_cast %get3A_538 : i32 to index
          %get3A_541 = arith.constant 64 : index
          %get3A_542 = tpu.vector_load %arg7[%get3A_539, %get3A_540, %get3A_541] {strides = array<i32>} : memref<4x2x128xi32, #tpu.memory_space<vmem>>, vector<16xi32>,
          %mul3A_543 = arith.constant 2 : i32
          %mul3A_544 = vector.broadcast %mul3A_543 : i32 to vector<16xi32>
          %mul3A_545 = arith.muli %get3A_542, %mul3A_544 : vector<16xi32>
          %add3A_546 = vector.broadcast %arg0 : i32 to vector<16xi32>
          %add3A_547 = arith.addi %mul3A_545, %add3A_546 : vector<16xi32>
          %swap3A_548 = arith.constant 1 : i32
          %swap3A_549 = arith.index_cast %swap3A_548 : i32 to index
          %swap3A_550 = arith.constant 64 : index
          %swap3A_551 = tpu.vector_load %arg8[%swap3A_549, %swap3A_550] {strides = array<i32>} : memref<2x128xi32, #tpu.memory_space<vmem>>, vector<16xi32>,
          tpu.vector_store %arg8[%swap3A_549, %swap3A_550], %add3A_547 {strides = array<i32>} : memref<2x128xi32, #tpu.memory_space<vmem>>, vector<16xi32>,
          %get3A_552 = arith.constant 0 : i32
          %get3A_553 = arith.index_cast %select_n3A_389 : i32 to index
          %get3A_554 = arith.index_cast %get3A_552 : i32 to index
          %get3A_555 = arith.constant 80 : index
          %get3A_556 = tpu.vector_load %arg7[%get3A_553, %get3A_554, %get3A_555] {strides = array<i32>} : memref<4x2x128xi32, #tpu.memory_space<vmem>>, vector<16xi32>,
          %mul3A_557 = arith.constant 2 : i32
          %mul3A_558 = vector.broadcast %mul3A_557 : i32 to vector<16xi32>
          %mul3A_559 = arith.muli %get3A_556, %mul3A_558 : vector<16xi32>
          %add3A_560 = vector.broadcast %arg0 : i32 to vector<16xi32>
          %add3A_561 = arith.addi %mul3A_559, %add3A_560 : vector<16xi32>
          %swap3A_562 = arith.constant 1 : i32
          %swap3A_563 = arith.index_cast %swap3A_562 : i32 to index
          %swap3A_564 = arith.constant 80 : index
          %swap3A_565 = tpu.vector_load %arg8[%swap3A_563, %swap3A_564] {strides = array<i32>} : memref<2x128xi32, #tpu.memory_space<vmem>>, vector<16xi32>,
          tpu.vector_store %arg8[%swap3A_563, %swap3A_564], %add3A_561 {strides = array<i32>} : memref<2x128xi32, #tpu.memory_space<vmem>>, vector<16xi32>,
          %get3A_566 = arith.constant 0 : i32
          %get3A_567 = arith.index_cast %select_n3A_389 : i32 to index
          %get3A_568 = arith.index_cast %get3A_566 : i32 to index
          %get3A_569 = arith.constant 96 : index
          %get3A_570 = tpu.vector_load %arg7[%get3A_567, %get3A_568, %get3A_569] {strides = array<i32>} : memref<4x2x128xi32, #tpu.memory_space<vmem>>, vector<16xi32>,
          %mul3A_571 = arith.constant 2 : i32
          %mul3A_572 = vector.broadcast %mul3A_571 : i32 to vector<16xi32>
          %mul3A_573 = arith.muli %get3A_570, %mul3A_572 : vector<16xi32>
          %add3A_574 = vector.broadcast %arg0 : i32 to vector<16xi32>
          %add3A_575 = arith.addi %mul3A_573, %add3A_574 : vector<16xi32>
          %swap3A_576 = arith.constant 1 : i32
          %swap3A_577 = arith.index_cast %swap3A_576 : i32 to index
          %swap3A_578 = arith.constant 96 : index
          %swap3A_579 = tpu.vector_load %arg8[%swap3A_577, %swap3A_578] {strides = array<i32>} : memref<2x128xi32, #tpu.memory_space<vmem>>, vector<16xi32>,
          tpu.vector_store %arg8[%swap3A_577, %swap3A_578], %add3A_575 {strides = array<i32>} : memref<2x128xi32, #tpu.memory_space<vmem>>, vector<16xi32>,
          %get3A_580 = arith.constant 0 : i32
          %get3A_581 = arith.index_cast %select_n3A_389 : i32 to index
          %get3A_582 = arith.index_cast %get3A_580 : i32 to index
          %get3A_583 = arith.constant 112 : index
          %get3A_584 = tpu.vector_load %arg7[%get3A_581, %get3A_582, %get3A_583] {strides = array<i32>} : memref<4x2x128xi32, #tpu.memory_space<vmem>>, vector<16xi32>,
          %mul3A_585 = arith.constant 2 : i32
          %mul3A_586 = vector.broadcast %mul3A_585 : i32 to vector<16xi32>
          %mul3A_587 = arith.muli %get3A_584, %mul3A_586 : vector<16xi32>
          %add3A_588 = vector.broadcast %arg0 : i32 to vector<16xi32>
          %add3A_589 = arith.addi %mul3A_587, %add3A_588 : vector<16xi32>
          %swap3A_590 = arith.constant 1 : i32
          %swap3A_591 = arith.index_cast %swap3A_590 : i32 to index
          %swap3A_592 = arith.constant 112 : index
          %swap3A_593 = tpu.vector_load %arg8[%swap3A_591, %swap3A_592] {strides = array<i32>} : memref<2x128xi32, #tpu.memory_space<vmem>>, vector<16xi32>,
          tpu.vector_store %arg8[%swap3A_591, %swap3A_592], %add3A_589 {strides = array<i32>} : memref<2x128xi32, #tpu.memory_space<vmem>>, vector<16xi32>,
          %dma_start3A_594 = arith.constant 1 : i32
          %dma_start3A_595 = arith.constant 1 : i32
          %dma_start3A_596 = arith.constant 0 : i32
          %dma_start3A_597 = arith.constant 0 : i32
          %dma_start3A_598 = tpu.memref_slice %arg9[%dma_start3A_595, %dma_start3A_596, %dma_start3A_597] : memref<2x128x128xf32, #tpu.memory_space<vmem>> -> memref<1x128x128xf32, #tpu.memory_space<vmem>>
          %dma_start3A_599 = tpu.memref_squeeze %dma_start3A_598 : memref<1x128x128xf32, #tpu.memory_space<vmem>> -> memref<128x128xf32, #tpu.memory_space<vmem>>
          %dma_start3A_600 = arith.constant 0 : i32
          %dma_start3A_601 = tpu.memref_slice %arg8[%dma_start3A_594, %dma_start3A_600] : memref<2x128xi32, #tpu.memory_space<vmem>> -> memref<1x128xi32, #tpu.memory_space<vmem>>
          %dma_start3A_602 = tpu.memref_squeeze %dma_start3A_601 : memref<1x128xi32, #tpu.memory_space<vmem>> -> memref<128xi32, #tpu.memory_space<vmem>>
          %dma_start3A_603 = arith.constant 0 : i32
          %dma_start3A_604 = arith.constant 0 : i32
          %dma_start3A_605 = tpu.memref_slice %arg2[%dma_start3A_603, %dma_start3A_604] : memref<20000x128xf32, #tpu.memory_space<hbm>> -> memref<20000x128xf32, #tpu.memory_space<hbm>>
          tpu.enqueue_indirect_dma source(%dma_start3A_605 : memref<20000x128xf32, #tpu.memory_space<hbm>>) target(%dma_start3A_599 : memref<128x128xf32, #tpu.memory_space<vmem>>) offsets(%dma_start3A_602 : memref<128xi32, #tpu.memory_space<vmem>>) semaphore(%arg12 : memref<!tpu.dma_semaphore, #tpu.memory_space<semaphore_mem>>)
        } else {
        }
        %add3A_460 = arith.constant 4 : i32
        %add3A_461 = arith.addi %scan3A_345, %add3A_460 : i32
        %lt3A_462 = arith.constant 80 : i32
        %lt3A_463 = arith.cmpi slt, %add3A_461, %lt3A_462 : i32
        %convert_element_type3A_464 = arith.extui %lt3A_463 : i1 to i32
        %cond3A_465 = arith.constant 0 : i32
        %cond3A_466 = arith.cmpi ne, %convert_element_type3A_464, %cond3A_465 : i32
        scf.if %cond3A_466 {
          %add3A_467 = arith.addi %mul3A_0, %scan3A_345 : i32
          %add3A_468 = arith.constant 4 : i32
          %add3A_469 = arith.addi %add3A_467, %add3A_468 : i32
          %dma_start3A_470 = arith.constant 0 : i32
          %dma_start3A_471 = arith.constant 0 : i32
          %dma_start3A_472 = tpu.memref_slice %arg7[%select_n3A_371, %dma_start3A_470, %dma_start3A_471] : memref<4x2x128xi32, #tpu.memory_space<vmem>> -> memref<1x2x128xi32, #tpu.memory_space<vmem>>
          %dma_start3A_473 = arith.constant 0 : i32
          %dma_start3A_474 = arith.constant 0 : i32
          %dma_start3A_475 = tpu.memref_slice %arg3[%add3A_469, %dma_start3A_473, %dma_start3A_474] : memref<1280x2x128xi32, #tpu.memory_space<hbm>> -> memref<1x2x128xi32, #tpu.memory_space<hbm>>
          %dma_start3A_476 = arith.constant 0 : i32
          %dma_start3A_477 = arith.constant 0 : i32
          %dma_start3A_478 = tpu.memref_slice %arg7[%select_n3A_371, %dma_start3A_476, %dma_start3A_477] : memref<4x2x128xi32, #tpu.memory_space<vmem>> -> memref<1x2x128xi32, #tpu.memory_space<vmem>>
          %dma_start3A_479 = arith.constant 0 : i32
          %dma_start3A_480 = arith.constant 0 : i32
          %dma_start3A_481 = tpu.memref_slice %arg3[%add3A_469, %dma_start3A_479, %dma_start3A_480] : memref<1280x2x128xi32, #tpu.memory_space<hbm>> -> memref<1x2x128xi32, #tpu.memory_space<hbm>>
          tpu.enqueue_dma source(%dma_start3A_481 : memref<1x2x128xi32, #tpu.memory_space<hbm>>) target(%dma_start3A_478 : memref<1x2x128xi32, #tpu.memory_space<vmem>>) target_semaphore(%arg14 : memref<!tpu.dma_semaphore, #tpu.memory_space<semaphore_mem>>)
        } else {
        }
      } else {
      }
    }
    %scan3A_336 = arith.constant 80 : i32
    %eq3A = arith.constant 0 : i32
    %eq3A_337 = arith.cmpi eq, %arg0, %eq3A : i32
    %convert_element_type3A = arith.extui %eq3A_337 : i1 to i32
    %cond3A = arith.constant 0 : i32
    %cond3A_338 = arith.cmpi ne, %convert_element_type3A, %cond3A : i32
    scf.if %cond3A_338 {
      "tpu.region"() ({
        %run_scoped3A_345 = tpu.sem_alloc : memref<!tpu.dma_semaphore, #tpu.memory_space<semaphore_mem>>
        %dma_start3A_346 = arith.constant 0 : i32
        %dma_start3A_347 = tpu.memref_slice %arg5[%arg1, %dma_start3A_346] : memref<16x10240xf32, #tpu.memory_space<hbm>> -> memref<1x10240xf32, #tpu.memory_space<hbm>>
        %dma_start3A_348 = tpu.memref_squeeze %dma_start3A_347 : memref<1x10240xf32, #tpu.memory_space<hbm>> -> memref<10240xf32, #tpu.memory_space<hbm>>
        %dma_start3A_349 = arith.constant 0 : i32
        %dma_start3A_350 = tpu.memref_slice %arg5[%arg1, %dma_start3A_349] : memref<16x10240xf32, #tpu.memory_space<hbm>> -> memref<1x10240xf32, #tpu.memory_space<hbm>>
        %dma_start3A_351 = tpu.memref_squeeze %dma_start3A_350 : memref<1x10240xf32, #tpu.memory_space<hbm>> -> memref<10240xf32, #tpu.memory_space<hbm>>
        tpu.enqueue_dma source(%arg10 : memref<10240xf32, #tpu.memory_space<vmem>>) target(%dma_start3A_351 : memref<10240xf32, #tpu.memory_space<hbm>>) target_semaphore(%run_scoped3A_345 : memref<!tpu.dma_semaphore, #tpu.memory_space<semaphore_mem>>)
        %dma_wait3A = arith.constant 0 : i32
        %dma_wait3A_352 = tpu.memref_slice %arg5[%arg1, %dma_wait3A] : memref<16x10240xf32, #tpu.memory_space<hbm>> -> memref<1x10240xf32, #tpu.memory_space<hbm>>
        %dma_wait3A_353 = tpu.memref_squeeze %dma_wait3A_352 : memref<1x10240xf32, #tpu.memory_space<hbm>> -> memref<10240xf32, #tpu.memory_space<hbm>>
        %dma_wait3A_354 = arith.constant 0 : i32
        %dma_wait3A_355 = tpu.memref_slice %arg5[%arg1, %dma_wait3A_354] : memref<16x10240xf32, #tpu.memory_space<hbm>> -> memref<1x10240xf32, #tpu.memory_space<hbm>>
        %dma_wait3A_356 = tpu.memref_squeeze %dma_wait3A_355 : memref<1x10240xf32, #tpu.memory_space<hbm>> -> memref<10240xf32, #tpu.memory_space<hbm>>
        tpu.wait_dma2 semaphore(%run_scoped3A_345 : memref<!tpu.dma_semaphore, #tpu.memory_space<semaphore_mem>>) src(%arg10 : memref<10240xf32, #tpu.memory_space<vmem>>) dst(%dma_wait3A_356 : memref<10240xf32, #tpu.memory_space<hbm>>)
        tpu.yield
      }) : () -> ()
    } else {
    }
    %barrier3A_339 = arith.constant 0 : index
    tpu.barrier barrier_id(%barrier3A_339)
    %mul3A_340 = arith.constant 640 : i32
    %mul3A_341 = arith.muli %arg1, %mul3A_340 : i32
    %mul3A_342 = arith.constant 10240 : i32
    %mul3A_343 = arith.muli %arg0, %mul3A_342 : i32
    %add3A_344 = arith.addi %mul3A_343, %mul3A_341 : i32
    "tpu.region"() ({
      %run_scoped3A_345 = tpu.sem_alloc : memref<!tpu.dma_semaphore, #tpu.memory_space<semaphore_mem>>
      %dma_start3A_346 = arith.constant 0 : i32
      %dma_start3A_347 = tpu.memref_slice %arg4[%add3A_344, %dma_start3A_346] : memref<20480x128xf32, #tpu.memory_space<hbm>> -> memref<640x128xf32, #tpu.memory_space<hbm>>
      %dma_start3A_348 = arith.constant 0 : i32
      %dma_start3A_349 = tpu.memref_slice %arg6[%mul3A_341, %dma_start3A_348] : memref<10240x128xf32, #tpu.memory_space<vmem_shared>> -> memref<640x128xf32, #tpu.memory_space<vmem_shared>>
      tpu.enqueue_dma source(%dma_start3A_349 : memref<640x128xf32, #tpu.memory_space<vmem_shared>>) target(%dma_start3A_347 : memref<640x128xf32, #tpu.memory_space<hbm>>) target_semaphore(%run_scoped3A_345 : memref<!tpu.dma_semaphore, #tpu.memory_space<semaphore_mem>>)
      %dma_wait3A = arith.constant 0 : i32
      %dma_wait3A_350 = tpu.memref_slice %arg4[%add3A_344, %dma_wait3A] : memref<20480x128xf32, #tpu.memory_space<hbm>> -> memref<640x128xf32, #tpu.memory_space<hbm>>
      %dma_wait3A_351 = arith.constant 0 : i32
      %dma_wait3A_352 = tpu.memref_slice %arg6[%mul3A_341, %dma_wait3A_351] : memref<10240x128xf32, #tpu.memory_space<vmem_shared>> -> memref<640x128xf32, #tpu.memory_space<vmem_shared>>
      tpu.wait_dma2 semaphore(%run_scoped3A_345 : memref<!tpu.dma_semaphore, #tpu.memory_space<semaphore_mem>>) src(%dma_wait3A_352 : memref<640x128xf32, #tpu.memory_space<vmem_shared>>) dst(%dma_wait3A_350 : memref<640x128xf32, #tpu.memory_space<hbm>>)
      tpu.yield
    }) : () -> ()
    return
  }
}

module attributes {stable_mosaic.version = 14 : i64} {
  func.func @_epi_body(%arg0: i32, %arg1: memref<16x512xf32, #tpu.memory_space<vmem>>, %arg2: memref<512x128xf32, #tpu.memory_space<vmem>>, %arg3: memref<512x128xf32, #tpu.memory_space<vmem>>, %arg4: memref<512x256xf32, #tpu.memory_space<vmem>>, %arg5: memref<256x256xf32, #tpu.memory_space<vmem>>, %arg6: memref<1x256xf32, #tpu.memory_space<vmem>>, %arg7: memref<256x256xf32, #tpu.memory_space<vmem>>, %arg8: memref<256x256xf32, #tpu.memory_space<vmem>>, %arg9: memref<1x256xf32, #tpu.memory_space<vmem>>, %arg10: memref<512x256xf32, #tpu.memory_space<vmem>>) attributes {dimension_semantics = [#tpu.dimension_semantics<arbitrary>], iteration_bounds = array<i64: 20>, scalar_prefetch = 0 : i64, scratch_operands = 0 : i64, tpu.core_type = #tpu.core_type<tc>, window_params = [{transform_indices = @transform_0, window_bounds = array<i64: 16, 512>}, {transform_indices = @transform_1, window_bounds = array<i64: 512, 128>}, {transform_indices = @transform_2, window_bounds = array<i64: 512, 128>}, {transform_indices = @transform_3, window_bounds = array<i64: 512, 256>}, {pipeline_mode = #tpu.pipeline_mode<synchronous>, transform_indices = @transform_4, window_bounds = array<i64: 256, 256>}, {pipeline_mode = #tpu.pipeline_mode<synchronous>, transform_indices = @transform_5, window_bounds = array<i64: 1, 256>}, {pipeline_mode = #tpu.pipeline_mode<synchronous>, transform_indices = @transform_6, window_bounds = array<i64: 256, 256>}, {pipeline_mode = #tpu.pipeline_mode<synchronous>, transform_indices = @transform_7, window_bounds = array<i64: 256, 256>}, {pipeline_mode = #tpu.pipeline_mode<synchronous>, transform_indices = @transform_8, window_bounds = array<i64: 1, 256>}, {transform_indices = @transform_9, window_bounds = array<i64: 512, 256>}]} {
    %get3A = arith.constant 0 : index
    %get3A_0 = arith.constant 0 : index
    %get3A_1 = vector.load %arg1[%get3A, %get3A_0] : memref<16x512xf32, #tpu.memory_space<vmem>>, vector<16x512xf32>
    %reduce_sum3A = arith.constant dense<0.000000e+00> : vector<512xf32>
    %reduce_sum3A_2 = vector.multi_reduction <add>, %get3A_1, %reduce_sum3A [0] : vector<16x512xf32> to vector<512xf32>
    %max3A = arith.constant 1.000000e+00 : f32
    %max3A_3 = vector.broadcast %max3A : f32 to vector<512xf32>
    %max3A_4 = arith.maximumf %reduce_sum3A_2, %max3A_3 : vector<512xf32>
    %div3A = arith.constant 1.000000e+00 : f32
    %div3A_5 = vector.broadcast %div3A : f32 to vector<512xf32>
    %div3A_6 = arith.divf %div3A_5, %max3A_4 : vector<512xf32>
    %get3A_7 = arith.constant 0 : index
    %get3A_8 = arith.constant 0 : index
    %get3A_9 = vector.load %arg2[%get3A_7, %get3A_8] : memref<512x128xf32, #tpu.memory_space<vmem>>, vector<512x128xf32>
    %broadcast_in_dim3A = vector.shape_cast %div3A_6 : vector<512xf32> to vector<512x1xf32>
    %mul3A = vector.broadcast %broadcast_in_dim3A : vector<512x1xf32> to vector<512x128xf32>
    %mul3A_10 = arith.mulf %get3A_9, %mul3A : vector<512x128xf32>
    %convert_element_type3A = arith.truncf %mul3A_10 : vector<512x128xf32> to vector<512x128xbf16>
    %get3A_11 = arith.constant 0 : index
    %get3A_12 = arith.constant 0 : index
    %get3A_13 = vector.load %arg3[%get3A_11, %get3A_12] : memref<512x128xf32, #tpu.memory_space<vmem>>, vector<512x128xf32>
    %broadcast_in_dim3A_14 = vector.shape_cast %div3A_6 : vector<512xf32> to vector<512x1xf32>
    %mul3A_15 = vector.broadcast %broadcast_in_dim3A_14 : vector<512x1xf32> to vector<512x128xf32>
    %mul3A_16 = arith.mulf %get3A_13, %mul3A_15 : vector<512x128xf32>
    %convert_element_type3A_17 = arith.truncf %mul3A_16 : vector<512x128xf32> to vector<512x128xbf16>
    %get3A_18 = arith.constant 0 : index
    %get3A_19 = arith.constant 0 : index
    %get3A_20 = vector.load %arg5[%get3A_18, %get3A_19] : memref<256x256xf32, #tpu.memory_space<vmem>>, vector<256x256xf32>
    %convert_element_type3A_21 = arith.truncf %get3A_20 : vector<256x256xf32> to vector<256x256xbf16>
    %slice3A = vector.extract_strided_slice %convert_element_type3A_21 {offsets = [0, 0], sizes = [256, 128], strides = [1, 1]} : vector<256x256xbf16> to vector<256x128xbf16>
    %dot_general3A = arith.constant dense<0.000000e+00> : vector<512x256xf32>
    %dot_general3A_22 = tpu.matmul %convert_element_type3A, %slice3A, %dot_general3A {dimension_numbers = #tpu.dot_dimension_numbers<[1], [1], [0], [0], [0, 0, 1, 0], [], []>, transpose_lhs_hint = false} : vector<512x128xbf16>, vector<256x128xbf16>, vector<512x256xf32> -> vector<512x256xf32>
    %slice3A_23 = vector.extract_strided_slice %convert_element_type3A_21 {offsets = [0, 128], sizes = [256, 128], strides = [1, 1]} : vector<256x256xbf16> to vector<256x128xbf16>
    %dot_general3A_24 = arith.constant dense<0.000000e+00> : vector<512x256xf32>
    %dot_general3A_25 = tpu.matmul %convert_element_type3A_17, %slice3A_23, %dot_general3A_24 {dimension_numbers = #tpu.dot_dimension_numbers<[1], [1], [0], [0], [0, 0, 1, 0], [], []>, transpose_lhs_hint = false} : vector<512x128xbf16>, vector<256x128xbf16>, vector<512x256xf32> -> vector<512x256xf32>
    %add3A = arith.addf %dot_general3A_22, %dot_general3A_25 : vector<512x256xf32>
    %get3A_26 = arith.constant 0 : index
    %get3A_27 = arith.constant 0 : index
    %get3A_28 = vector.load %arg4[%get3A_26, %get3A_27] : memref<512x256xf32, #tpu.memory_space<vmem>>, vector<512x256xf32>
    %convert_element_type3A_29 = arith.truncf %get3A_28 : vector<512x256xf32> to vector<512x256xbf16>
    %get3A_30 = arith.constant 0 : index
    %get3A_31 = arith.constant 0 : index
    %get3A_32 = vector.load %arg7[%get3A_30, %get3A_31] : memref<256x256xf32, #tpu.memory_space<vmem>>, vector<256x256xf32>
    %convert_element_type3A_33 = arith.truncf %get3A_32 : vector<256x256xf32> to vector<256x256xbf16>
    %dot_general3A_34 = arith.constant dense<0.000000e+00> : vector<512x256xf32>
    %dot_general3A_35 = tpu.matmul %convert_element_type3A_29, %convert_element_type3A_33, %dot_general3A_34 {dimension_numbers = #tpu.dot_dimension_numbers<[1], [1], [0], [0], [0, 0, 1, 0], [], []>, transpose_lhs_hint = false} : vector<512x256xbf16>, vector<256x256xbf16>, vector<512x256xf32> -> vector<512x256xf32>
    %add3A_36 = arith.addf %add3A, %dot_general3A_35 : vector<512x256xf32>
    %get3A_37 = arith.constant 0 : index
    %get3A_38 = arith.constant 0 : index
    %get3A_39 = vector.load %arg6[%get3A_37, %get3A_38] : memref<1x256xf32, #tpu.memory_space<vmem>>, vector<1x256xf32>
    %add3A_40 = vector.broadcast %get3A_39 : vector<1x256xf32> to vector<512x256xf32>
    %add3A_41 = arith.addf %add3A_36, %add3A_40 : vector<512x256xf32>
    %gt3A = arith.constant 0.000000e+00 : f32
    %gt3A_42 = vector.broadcast %gt3A : f32 to vector<512x256xf32>
    %gt3A_43 = arith.cmpf ogt, %add3A_41, %gt3A_42 : vector<512x256xf32>
    %exp3A = math.exp %add3A_41 : vector<512x256xf32>
    %sub3A = arith.constant 1.000000e+00 : f32
    %sub3A_44 = vector.broadcast %sub3A : f32 to vector<512x256xf32>
    %sub3A_45 = arith.subf %exp3A, %sub3A_44 : vector<512x256xf32>
    %select_n3A = arith.select %gt3A_43, %add3A_41, %sub3A_45 : vector<512x256xi1>, vector<512x256xf32>
    %convert_element_type3A_46 = arith.truncf %select_n3A : vector<512x256xf32> to vector<512x256xbf16>
    %get3A_47 = arith.constant 0 : index
    %get3A_48 = arith.constant 0 : index
    %get3A_49 = vector.load %arg8[%get3A_47, %get3A_48] : memref<256x256xf32, #tpu.memory_space<vmem>>, vector<256x256xf32>
    %convert_element_type3A_50 = arith.truncf %get3A_49 : vector<256x256xf32> to vector<256x256xbf16>
    %dot_general3A_51 = arith.constant dense<0.000000e+00> : vector<512x256xf32>
    %dot_general3A_52 = tpu.matmul %convert_element_type3A_46, %convert_element_type3A_50, %dot_general3A_51 {dimension_numbers = #tpu.dot_dimension_numbers<[1], [1], [0], [0], [0, 0, 1, 0], [], []>, transpose_lhs_hint = false} : vector<512x256xbf16>, vector<256x256xbf16>, vector<512x256xf32> -> vector<512x256xf32>
    %get3A_53 = arith.constant 0 : index
    %get3A_54 = arith.constant 0 : index
    %get3A_55 = vector.load %arg9[%get3A_53, %get3A_54] : memref<1x256xf32, #tpu.memory_space<vmem>>, vector<1x256xf32>
    %add3A_56 = vector.broadcast %get3A_55 : vector<1x256xf32> to vector<512x256xf32>
    %add3A_57 = arith.addf %dot_general3A_52, %add3A_56 : vector<512x256xf32>
    %swap3A = arith.constant 0 : index
    %swap3A_58 = arith.constant 0 : index
    %swap3A_59 = vector.load %arg10[%swap3A, %swap3A_58] : memref<512x256xf32, #tpu.memory_space<vmem>>, vector<512x256xf32>
    tpu.vector_store %arg10[%swap3A, %swap3A_58], %add3A_57 {strides = array<i32>} : memref<512x256xf32, #tpu.memory_space<vmem>>, vector<512x256xf32>,
    return
  }
  func.func @transform_0(%arg0: i32) -> (i32, i32) {
    %c0_i32 = arith.constant 0 : i32
    %c0_i32_0 = arith.constant 0 : i32
    return %c0_i32, %arg0 : i32, i32
  }
  func.func @transform_1(%arg0: i32) -> (i32, i32) {
    %c0_i32 = arith.constant 0 : i32
    %c0_i32_0 = arith.constant 0 : i32
    return %arg0, %c0_i32 : i32, i32
  }
  func.func @transform_2(%arg0: i32) -> (i32, i32) {
    %add3A = arith.constant 20 : i32
    %add3A_0 = arith.addi %arg0, %add3A : i32
    %c0_i32 = arith.constant 0 : i32
    %c0_i32_1 = arith.constant 0 : i32
    return %add3A_0, %c0_i32 : i32, i32
  }
  func.func @transform_3(%arg0: i32) -> (i32, i32) {
    %c0_i32 = arith.constant 0 : i32
    %c0_i32_0 = arith.constant 0 : i32
    return %arg0, %c0_i32 : i32, i32
  }
  func.func @transform_4(%arg0: i32) -> (i32, i32) {
    %c0_i32 = arith.constant 0 : i32
    %c0_i32_0 = arith.constant 0 : i32
    %c0_i32_1 = arith.constant 0 : i32
    return %c0_i32, %c0_i32_0 : i32, i32
  }
  func.func @transform_5(%arg0: i32) -> (i32, i32) {
    %c0_i32 = arith.constant 0 : i32
    %c0_i32_0 = arith.constant 0 : i32
    %c0_i32_1 = arith.constant 0 : i32
    return %c0_i32, %c0_i32_0 : i32, i32
  }
  func.func @transform_6(%arg0: i32) -> (i32, i32) {
    %c0_i32 = arith.constant 0 : i32
    %c0_i32_0 = arith.constant 0 : i32
    %c0_i32_1 = arith.constant 0 : i32
    return %c0_i32, %c0_i32_0 : i32, i32
  }
  func.func @transform_7(%arg0: i32) -> (i32, i32) {
    %c0_i32 = arith.constant 0 : i32
    %c0_i32_0 = arith.constant 0 : i32
    %c0_i32_1 = arith.constant 0 : i32
    return %c0_i32, %c0_i32_0 : i32, i32
  }
  func.func @transform_8(%arg0: i32) -> (i32, i32) {
    %c0_i32 = arith.constant 0 : i32
    %c0_i32_0 = arith.constant 0 : i32
    %c0_i32_1 = arith.constant 0 : i32
    return %c0_i32, %c0_i32_0 : i32, i32
  }
  func.func @transform_9(%arg0: i32) -> (i32, i32) {
    %c0_i32 = arith.constant 0 : i32
    %c0_i32_0 = arith.constant 0 : i32
    return %arg0, %c0_i32 : i32, i32
  }
}

</mosaic_0001>

<sc_bundles>
// kernel: kernel.4.cloned.1.call-start
scs
__scs_entry_jumppad:
0x0: {  	(pc) =	sbr.rel $0x88, $3  }
0x1: {  	(tag) =	ssettag $0x0;
	lr =	simm.s32 $0x1  }
0x2: {  	[smem:$0x3F9A] =	sst lr;
	_ =	strace $0xD0000000  }
0x3: {  	_ = 	snop  }
0x4: {  	_ = 	snop  }
0x5: {  	_ = 	snop  }
0x6: {  	_ = 	snop  }
0x7: {  	_ = 	snop  }
__scs_overlays_trampoline_lowered:
0x8: {  	[smem:$0x3FA9] =	sst s0  }
0x9: {  	[smem:$0x3FAA] =	sst s1  }
0xa: {  	[smem:$0x3FAB] =	sst s2  }
0xb: {  	[smem:$0x3FAC] =	sst s3  }
0xc: {  	[smem:$0x3FAD] =	sst s4  }
0xd: {  	[smem:$0x3FAE] =	sst s5  }
0xe: {  	[smem:$0x3FAF] =	sst s6  }
0xf: {  	[smem:$0x3FB0] =	sst s7  }
0x10: {  	[smem:$0x3FB1] =	sst s8  }
0x11: {  	[smem:$0x3FB2] =	sst s9;
	s0 =	simm.s32 @!p0 $0x0  }
0x12: {  	s1 =	sld [smem:$0x3F98];
	s0 =	simm.s32 @p0 $0x1  }
0x13: {  	[smem:$0x3FB3] =	sst s0;
	s0 =	simm.s32 @!p1 $0x0  }
0x14: {  	s2 =	sld [smem:$0x3F97];
	s0 =	simm.s32 @p1 $0x1  }
0x15: {  	[smem:$0x3FB4] =	sst s0;
	s0 =	simm.s32 @!p2 $0x0  }
0x16: {  	s3 =	sld [smem:$0x3FDB];
	s0 =	simm.s32 @p2 $0x1  }
0x17: {  	s4 =	simm.s32 $0x1BF5;
	[smem:$0x3FB6] =	sst s0  }
0x18: {  	s0 =	sld [smem:$0x3F99];
	_ =	swait.ge [sflag:s4], $0x0  }
0x19: {  	s7 =	sld [smem:$0x3F9A]  }
0x1a: {  	s8 =	sadd.s32 $0xFFFFE003, lr  }
0x1b: {  	s9 =	sadd.s32 $0xFFFFFEF7, lr;
	s5 =	simm.s32 $0xFFFFFFFF;
	p2 =	slt.u32 s8, $0xFFFFF086  }
0x1c: {  	p1 =	slt.u32 s9, $0xF7A;
	s5 =	simm.s32 @!p2 $0x0  }
0x1d: {  	s5 =	simm.s32 @p1 $0x1;
	p0 =	seq.s32 s7, s2  }
0x1e: {  	s7 =	smul.u32 @!p0 $0xF7A, s2;
	p2 =	seq.s32 @!p0 s5, $0x0  }
0x1f: {  	s9 =	smul.u32 $0xF7A, s1;
	s8 =	simm.s32 @!p0 $0x1BF5;
	p2 =	por !p2, p0  }
0x20: {  	[sflag:s8] =	ssyncset.s32 @!p0 $0xFFFFF086;
	s6 =	sadd.s32 @!p0 s3, s7;
	s7 =	simm.s32 @!p0 $0x108  }
0x21: {  	s3 =	sadd.s32 s3, s9;
	s6 =	sadd.s32 @!p0 $0x88, s6;
	s7 =	simm.s32 @p2 $0x1082  }
0x22: {  	[simem:s7], [sflag:s8] =	dma.local @!p0 [hbm:s6], $0xF7A  }
0x23: {  	s9 =	sor.u32 $0xD0000000, s2;
	s6 =	simm.s32 $0x108;
	_ =	swait.ge @!p0 [sflag:s8], $0x0  }
0x24: {  	s3 =	sadd.s32 $0x88, s3;
	s6 =	simm.s32 @!p1 $0x1082;
	[sflag:s4] =	ssyncset.s32 $0xFFFFF086  }
0x25: {  	[simem:s6], [sflag:s4] =	dma.local [hbm:s3], $0xF7A  }
0x26: {  	[smem:$0x3F9A] =	sst s1;
	(tag) =	ssettag s2;
	_ =	strace s9  }
0x27: {  	s1 =	sld [smem:$0x3FAA]  }
0x28: {  	s2 =	sld [smem:$0x3FAB]  }
0x29: {  	s4 =	sld [smem:$0x3FAD]  }
0x2a: {  	p0 =	seq.s32 s5, $0x0;
	s5 =	sld [smem:$0x3FAE]  }
0x2b: {  	s6 =	sld [smem:$0x3FAF]  }
0x2c: {  	s7 =	sld [smem:$0x3FB0]  }
0x2d: {  	s3 =	simm.s32 $0x108;
	s8 =	sld [smem:$0x3FB1]  }
0x2e: {  	s3 =	simm.s32 @!p0 $0x1082;
	s9 =	sld [smem:$0x3FB2]  }
0x2f: {  	lr =	sadd.s32 s0, s3;
	s0 =	sld [smem:$0x3FA9]  }
0x30: {  	s3 =	sld [smem:$0x3FAC]  }
0x31: {  	[smem:$0x3FB5] =	sst s10  }
0x32: {  	s10 =	sld [smem:$0x3FB3];
	_ =	sdelay $0x3  }
0x33: {  	p0 =	seq.s32 s10, $0x1;
	s10 =	sld [smem:$0x3FB5];
	_ =	sdelay $0x3  }
0x34: {  	[smem:$0x3FB5] =	sst s10  }
0x35: {  	s10 =	sld [smem:$0x3FB4];
	_ =	sdelay $0x3  }
0x36: {  	p1 =	seq.s32 s10, $0x1;
	s10 =	sld [smem:$0x3FB5];
	_ =	sdelay $0x3  }
0x37: {  	[smem:$0x3FB5] =	sst s10  }
0x38: {  	s10 =	sld [smem:$0x3FB6]  }
0x39: {  	_ = 	snop;
	(pc) =	sbr.ind lr, $3  }
0x3a: {  	_ = 	snop  }
0x3b: {  	_ = 	snop  }
0x3c: {  	p2 =	seq.s32 s10, $0x1;
	s10 =	sld [smem:$0x3FB5]  }
0x3d: {  	_ =	shalt  }
0x3e: {  	_ =	shalt  }
0x3f: {  	_ =	shalt  }
0x40: {  	_ =	shalt  }
0x41: {  	_ =	shalt  }
0x42: {  	_ =	shalt  }
0x43: {  	_ =	shalt  }
0x44: {  	_ =	shalt  }
0x45: {  	_ =	shalt  }
0x46: {  	_ =	shalt  }
0x47: {  	_ =	shalt  }
0x48: {  	_ =	shalt  }
0x49: {  	_ =	shalt  }
0x4a: {  	_ =	shalt  }
0x4b: {  	_ =	shalt  }
0x4c: {  	_ =	shalt  }
0x4d: {  	_ =	shalt  }
0x4e: {  	_ =	shalt  }
0x4f: {  	_ =	shalt  }
0x50: {  	_ =	shalt  }
0x51: {  	_ =	shalt  }
0x52: {  	_ =	shalt  }
0x53: {  	_ =	shalt  }
0x54: {  	_ =	shalt  }
0x55: {  	_ =	shalt  }
0x56: {  	_ =	shalt  }
0x57: {  	_ =	shalt  }
0x58: {  	_ =	shalt  }
0x59: {  	_ =	shalt  }
0x5a: {  	_ =	shalt  }
0x5b: {  	_ =	shalt  }
0x5c: {  	_ =	shalt  }
0x5d: {  	_ =	shalt  }
0x5e: {  	_ =	shalt  }
0x5f: {  	_ =	shalt  }
0x60: {  	_ =	shalt  }
0x61: {  	_ =	shalt  }
0x62: {  	_ =	shalt  }
0x63: {  	_ =	shalt  }
0x64: {  	_ =	shalt  }
0x65: {  	_ =	shalt  }
0x66: {  	_ =	shalt  }
0x67: {  	_ =	shalt  }
0x68: {  	_ =	shalt  }
0x69: {  	_ =	shalt  }
0x6a: {  	_ =	shalt  }
0x6b: {  	_ =	shalt  }
0x6c: {  	_ =	shalt  }
0x6d: {  	_ =	shalt  }
0x6e: {  	_ =	shalt  }
0x6f: {  	_ =	shalt  }
0x70: {  	_ =	shalt  }
0x71: {  	_ =	shalt  }
0x72: {  	_ =	shalt  }
0x73: {  	_ =	shalt  }
0x74: {  	_ =	shalt  }
0x75: {  	_ =	shalt  }
0x76: {  	_ =	shalt  }
0x77: {  	_ =	shalt  }
0x78: {  	_ =	shalt  }
0x79: {  	_ =	shalt  }
0x7a: {  	_ =	shalt  }
0x7b: {  	_ =	shalt  }
0x7c: {  	_ =	shalt  }
0x7d: {  	_ =	shalt  }
0x7e: {  	_ =	shalt  }
0x7f: {  	_ =	shalt  }
0x80: {  	_ =	shalt  }
0x81: {  	_ =	shalt  }
0x82: {  	_ =	shalt  }
0x83: {  	_ =	shalt  }
0x84: {  	_ =	shalt  }
0x85: {  	_ =	shalt  }
0x86: {  	_ =	shalt  }
0x87: {  	_ =	shalt  }
.Lfunc_end0:
.L_simem_size_0:
called_computation_lowered:
.L_overlay_start_0:
0x88: {  	s2 =	sld [smem:$0x3FD9]  }
0x89: {  	s3 =	sld [smem:$0x3FFE];
	_ =	sdelay $0x1  }
0x8a: {  	s1 =	srdreg.scid  }
0x8b: {  	s0 =	sand.u32 $0x1, s1  }
0x8c: {  	s17 =	sshll.u32 s0, $0xA;
	s2 =	sadd.s32 s3, s2  }
0x8d: {  	s2 =	sadd.s32 s2, s17  }
0x8e: {  	[smem:$0x3FC1] =	sst s2  }
0x8f: {  	_ = 	snop  }
0x90: {  	s2 =	sld [smem:$0x3FD0];
	(tm) =	ssettm $0x1  }
0x91: {  	s18 =	sld [smem:$0x3FFB];
	_ =	sdelay $0x3  }
0x92: {  	_ =	strace s18  }
0x93: {  	s3 =	sld [smem:$0x3FFC];
	_ =	sdelay $0x3  }
0x94: {  	_ =	strace s3  }
0x95: {  	s3 =	sld [smem:$0x3FFD];
	_ =	sdelay $0x3  }
0x96: {  	_ =	strace s3  }
0x97: {  	_ =	strace $0x8FFFFFFF  }
0x98: {  	s19 =	sld [smem:$0x3FDB];
	_ =	sdelay $0x1  }
0x99: {  	s4 =	simm.s32 $_scs_section_size  }
0x9a: {  	s5 =	simm.s32 $_size__tile_overlayer_lowered;
	s6 =	simm.s32 $_tile_overlayer_lowered  }
0x9b: {  	s22 =	simm.s32 $0x1BFF;
	s21 =	sshll.u32 s6, $0x1;
	s3 =	sadd.s32 s4, s19  }
0x9c: {  	s7 =	simm.s32 $0x0;
	s20 =	sshll.u32 s5, $0x1;
	s5 =	sadd.s32 s21, s3  }
0x9d: {  	[timem:s7], [sflag:s22] =	dma.local [hbm:s5], s20  }
0x9e: {  	_ =	swait.ge [sflag:s22], s20  }
0x9f: {  	s4 =	ssub.s32 $0x0, s20;
	[sflag:s22] =	ssyncset.done $0x0  }
0xa0: {  	[sflag:s22] =	ssyncadd.s32 s4;
	_ =	sdelay $0x1  }
0xa1: {  	s23 =	simm.s32 $0x1B8B  }
0xa2: {  	_ =	swait.ge [sflag:s23], $0x1  }
0xa3: {  	[sflag:s23] =	ssyncset.done $0x0  }
0xa4: {  	s25 =	simm.s32 $0x1B8E;
	s24 =	sld [smem:$0x3FFE];
	[sflag:s23] =	ssyncadd.s32 $0xFFFFFFFF  }
0xa5: {  	s26 =	simm.s32 $execute0_lowered;
	[smem:$0x3FD2] =	sst s25  }
0xa6: {  	s5 =	sshll.u32 s26, $0x1;
	_ =	strace $0x80000046;
	[dreg:$0x1] =	wrdreg $0xFFFFFFFF  }
0xa7: {  	s28 =	simm.s32 $_size_execute0_lowered;
	s3 =	sadd.s32 s3, s5;
	[dreg:$0x0] =	wrdreg $0x0  }
0xa8: {  	s5 =	sshll.u32 s28, $0x1;
	[dreg:$0x2] =	wrdreg s3  }
0xa9: {  	[dreg:$0x3] =	wrdreg s5  }
0xaa: {  	[dreg:$0x4] =	wrdreg $0xC0  }
0xab: {  	_ =	task [dreg:s7], $0x5FFFF  }
0xac: {  	[dreg:$0x1] =	wrdreg $0xFFFFFFFF  }
0xad: {  	[dreg:$0x0] =	wrdreg $0x60  }
0xae: {  	[dreg:$0x2] =	wrdreg s2  }
0xaf: {  	[dreg:$0x3] =	wrdreg s24  }
0xb0: {  	[dreg:$0x4] =	wrdreg $0x0  }
0xb1: {  	[dreg:$0x5] =	wrdreg $0x9  }
0xb2: {  	_ =	task.clear_ibuf [dreg:s7], $0x6FFFF;
	_ =	strace $0x90000046  }
0xb3: {  	s29 =	simm.s32 $0x9;
	_ =	strace $0x80000048  }
0xb4: {  	_ =	swait.ge [sflag:s29], $0x1  }
0xb5: {  	[sflag:s29] =	ssyncadd.s32 $0xFFFFFFFF  }
0xb6: {  	_ =	strace $0x90000048  }
0xb7: {  	_ =	sfence  }
0xb8: {  	s30 =	sld [smem:$0x0];
	_ =	sdelay $0x2  }
0xb9: {  	s31 =	sshll.u32 s1, $0xD;
	s1 =	sshrl.u32 s1, $0x2  }
0xba: {  	s3 =	sand.u32 $0x4000, s31;
	s1 =	sadd.s32 s1, s30  }
0xbb: {  	s0 =	sor.u32 s3, s0;
	s1 =	sshll.u32 s1, $0x11  }
0xbc: {  	s0 =	sor.u32 s1, s0  }
0xbd: {  	s0 =	sadd.s32 $0x8F2B, s0  }
0xbe: {  	[sflag:s0] =	ssyncadd.remote.s32 $0x1  }
0xbf: {  	_ =	sfence.sel $0xFFFF  }
0xc0: {  	[dreg:$0x0] =	wrdreg $0xFFFFFFFF;
	(pc) =	sbr.abs _section_cstart, $3  }
0xc1: {  	[dreg:$0x1] =	wrdreg $0xFFFFFFFF  }
0xc2: {  	_ =	task.clear_ibuf [dreg:s7], $0x2FFFF;
	_ =	strace $0x9FFFFFFF  }
0xc3: {  	(tm) =	ssettm $0x7FFFFFFF  }
tec
execute0_lowered:
.L_overlay_start_1:
0x0: {  	(tag) =	ssettag $0x1  }
0x1: {  	s2 =	rddreg [dreg:$0x0]  }
0x2: {  	s0 =	rddreg [dreg:$0x1]  }
0x3: {  	s3 =	rddreg [dreg:$0x2]  }
0x4: {  	s1 =	stileid.u32;
	s6 =	srdreg.scid  }
0x5: {  	s4 =	simm.s32 $0x0;
	s17 =	simm.s32 $0x14500;
	s5 =	smul.u32 $0xA00, s1  }
0x6: {  	s18 =	simm.s32 $0x5;
	s22 =	simm.s32 $0x80;
	s23 =	smul.u32 $0x2800, s1  }
0x7: {  	s28 =	simm.s32 $0x2;
	s19 =	sand.u32 $0x1, s6;
	s25 =	smul.u32 $0x50000, s1  }
0x8: {  	[smem:$0x7FF] =	sst s4;
	s8 =	sshrl.u32 s1, $0x3;
	s7 =	smul.u32 $0x28000, s19  }
0x9: {  	s9 =	sshll.u32 s1, $0x7;
	_ =	strace $0x80000047;
	s8 =	smul.u32 $0x14000, s8  }
0xa: {  	s24 =	sand.u32 $0x380, s9;
	s29 =	ssub.s32 $0x2, s19;
	p0 =	sne.s32 s19, $0x0  }
0xb: {  	s16 =	sadd.s32 s5, s0;
	s30 =	sshrl.u32 s25, $0x2;
	s31 =	sshrl.u32 s29, $0x1  }
0xc: {  	s25 =	simm.s32 $0x18500;
	s6 =	sadd.s32 s23, s7;
	s26 =	sor.u32 s24, s8  }
0xd: {  	s15 =	ssub.s32 s29, s31;
	s10 =	sadd.s32 $0x1A00, s16;
	s11 =	sadd.s32 $0x1A40, s16  }
.Ltmp0:
0xe: {  	s12 =	sadd.s32 $0x1A60, s16;
	s16 =	sadd.s32 $0x1A80, s16;
	(pc) =	sbr.rel .LBB2_1-.Ltmp0, $4  }
0xf: {  	s14 =	sadd.s32 s6, s0;
	s5 =	sshrl.u32 s26, $0x3;
	s15 =	smax.u32 s15, $0x1  }
0x10: {  	s26 =	simm.s32 $0x1C500;
	s0 =	sadd.s32 s5, s0;
	s5 =	sadd.s32 s30, s3  }
0x11: {  	s14 =	sadd.s32 $0xBA00, s14;
	s6 =	sadd.s32 $0x4000, s5;
	s7 =	sadd.s32 $0x8000, s5  }
0x12: {  	v1 =	vimm.f32 $0.0e+00;
	v2 =	vimm.f32 $1.000000000e+00;
	v0 =	vmov s19;
	s8 =	sadd.s32 $0xC000, s5;
	s9 =	sadd.s32 $0x10000, s5;
	s13 =	sadd.s32 $0x5BA00, s0  }
.LBB2_9:
0x13: {  	s0 =	simm.s32 @!p0 $0x80;
	s1 =	simm.s32 @!p0 $0x400;
	s19 =	simm.s32 @!p0 $0x1C500  }
0x14: {  	[hbm4b:s13+s0] =	stream.strided.scatter @!p0 [tilespmem:s19], [sflag:$0x5], $0x2800, s1, s0, $0x38;
	[tilespmem:$0x1ED00] =	vst v63  }
0x15: {  	s0 =	simm.s32 @!p0 $0x5  }
0x16: {  	s30 =	stileid.u32;
	_ =	swait.ge @!p0 [sflag:s0], $0x2800  }
0x17: {  	s31 =	sshrl.u32 s5, $0x3;
	s4 =	sadd.s32 $0x1, s4;
	[sflag:s0] =	ssyncset.done @!p0 $0x0  }
0x18: {  	p1 =	sne.s32 s4, s15;
	[sflag:s0] =	ssyncadd.s32 @!p0 $0xFFFFD800;
	s0 =	sshll.u32 s30, $0x6  }
.Ltmp1:
0x19: {  	[bflag:$0x0] =	sbarrier.arrive $0xFFFF;
	s0 =	sor.u32 $0x1C05, s0;
	(pc) =	sbr.rel @!p1 .LBB2_10-.Ltmp1, $4  }
0x1a: {  	[hbm:s14], [sflag:s0] =	dma.local [spmem:s31], $0x2800  }
0x1b: {  	_ =	swait.ge [sflag:s18], $0x2800  }
0x1c: {  	[sflag:s18] =	ssyncset.done $0x0  }
0x1d: {  	[sflag:s18] =	ssyncadd.s32 $0xFFFFD800  }
.LBB2_1:
0x1e: {  	s0 =	simm.s32 $0x0;
	s19 =	simm.s32 $0x200  }
.LBB2_2:
0x1f: {  	p1 =	sne.s32 s19, $0xFE00;
	[tilespmem:s0+$0x18570] =	vst v1  }
0x20: {  	[tilespmem:s0+$0x14500] =	vst v1  }
0x21: {  	[tilespmem:s0+$0x14510] =	vst v1  }
0x22: {  	[tilespmem:s0+$0x14520] =	vst v1  }
0x23: {  	[tilespmem:s0+$0x14530] =	vst v1  }
0x24: {  	[tilespmem:s0+$0x14540] =	vst v1  }
0x25: {  	[tilespmem:s0+$0x14550] =	vst v1  }
0x26: {  	[tilespmem:s0+$0x14560] =	vst v1  }
0x27: {  	[tilespmem:s0+$0x14570] =	vst v1  }
0x28: {  	[tilespmem:s0+$0x18500] =	vst v1  }
0x29: {  	[tilespmem:s0+$0x18510] =	vst v1  }
.Ltmp2:
0x2a: {  	[tilespmem:s0+$0x18520] =	vst v1;
	(pc) =	sbr.rel @p1 .LBB2_2-.Ltmp2, $4  }
0x2b: {  	[tilespmem:s0+$0x18530] =	vst v1  }
0x2c: {  	[tilespmem:s0+$0x18540] =	vst v1  }
0x2d: {  	[tilespmem:s0+$0x18550] =	vst v1  }
0x2e: {  	[tilespmem:s0+$0x18560] =	vst v1;
	s0 =	sshra.s32 s19, $0x2;
	s19 =	sadd.s32 $0x200, s19  }
0x2f: {  	[tilespmem:s0+$0x18570] =	vst v1  }
0x30: {  	[tilespmem:s0+$0x14500] =	vst v1  }
0x31: {  	[tilespmem:s0+$0x14510] =	vst v1  }
0x32: {  	[tilespmem:s0+$0x14520] =	vst v1  }
0x33: {  	[tilespmem:s0+$0x14530] =	vst v1  }
0x34: {  	[tilespmem:s0+$0x14540] =	vst v1  }
0x35: {  	[tilespmem:s0+$0x14550] =	vst v1  }
0x36: {  	[tilespmem:s0+$0x14560] =	vst v1  }
0x37: {  	[tilespmem:s0+$0x14570] =	vst v1  }
0x38: {  	[tilespmem:s0+$0x18500] =	vst v1  }
0x39: {  	[tilespmem:s0+$0x18510] =	vst v1  }
0x3a: {  	[tilespmem:s0+$0x18520] =	vst v1  }
0x3b: {  	[tilespmem:s0+$0x18530] =	vst v1  }
0x3c: {  	[tilespmem:s0+$0x18540] =	vst v1  }
0x3d: {  	[tilespmem:s0+$0x18550] =	vst v1  }
0x3e: {  	[tilespmem:s0+$0x18560] =	vst v1;
	s0 =	simm.s32 $0x40;
	s19 =	simm.s32 $0x0  }
.LBB2_4:
0x3f: {  	p1 =	sne.s32 s0, $0x9FC0;
	[tilespmem:s19+$0x1C500] =	vst v1;
	s19 =	smov.u32 s0;
	s0 =	sadd.s32 $0x40, s0  }
.Ltmp3:
0x40: {  	(pc) =	sbr.rel @p1 .LBB2_4-.Ltmp3, $2  }
0x41: {  	_ =	sdelay $0x2  }
0x42: {  	s19 =	sshra.s32 s19, $0x2  }
0x43: {  	[tilespmem:s19+$0x1C500] =	vst v1  }
0x44: {  	[spmem:s5] =	stream.linear.scatter [tilespmem:s17], [sflag:$0x5], $0x4000, $0x38;
	[tilespmem:$0x1ED00] =	vst v63  }
0x45: {  	_ =	swait.ge [sflag:s18], $0x4000  }
0x46: {  	[sflag:s18] =	ssyncset.done $0x0  }
0x47: {  	[sflag:s18] =	ssyncadd.s32 $0xFFFFC000  }
0x48: {  	[spmem:s6] =	stream.linear.scatter [tilespmem:s17], [sflag:$0x5], $0x4000, $0x38;
	[tilespmem:$0x1ED00] =	vst v63  }
0x49: {  	_ =	swait.ge [sflag:s18], $0x4000  }
0x4a: {  	[sflag:s18] =	ssyncset.done $0x0  }
0x4b: {  	[sflag:s18] =	ssyncadd.s32 $0xFFFFC000  }
0x4c: {  	[spmem:s7] =	stream.linear.scatter [tilespmem:s17], [sflag:$0x5], $0x4000, $0x38;
	[tilespmem:$0x1ED00] =	vst v63  }
0x4d: {  	_ =	swait.ge [sflag:s18], $0x4000  }
0x4e: {  	[sflag:s18] =	ssyncset.done $0x0  }
0x4f: {  	[sflag:s18] =	ssyncadd.s32 $0xFFFFC000  }
0x50: {  	[spmem:s8] =	stream.linear.scatter [tilespmem:s17], [sflag:$0x5], $0x4000, $0x38;
	[tilespmem:$0x1ED00] =	vst v63  }
0x51: {  	_ =	swait.ge [sflag:s18], $0x4000  }
0x52: {  	[sflag:s18] =	ssyncset.done $0x0  }
0x53: {  	[sflag:s18] =	ssyncadd.s32 $0xFFFFC000  }
0x54: {  	[spmem:s9] =	stream.linear.scatter [tilespmem:s17], [sflag:$0x5], $0x4000, $0x38;
	[tilespmem:$0x1ED00] =	vst v63  }
0x55: {  	_ =	swait.ge [sflag:s18], $0x4000  }
0x56: {  	[sflag:s18] =	ssyncset.done $0x0  }
0x57: {  	[sflag:s18] =	ssyncadd.s32 $0xFFFFC000  }
0x58: {  	s29 =	simm.s32 $0x0;
	s0 =	simm.s32 $0x14000;
	[bflag:$0x0] =	sbarrier.arrive $0xFFFF  }
0x59: {  	[tilespmem:s0], [sflag:$0x5] =	stream.linear.gather [hbm4b:s10+s29], $0x200, $0x38;
	[tilespmem:$0x1ED00] =	vst v63  }
0x5a: {  	_ =	swait.ge [sflag:s18], $0x200  }
0x5b: {  	[sflag:s18] =	ssyncset.done $0x0  }
0x5c: {  	s20 =	simm.s32 $0x14200;
	[sflag:s18] =	ssyncadd.s32 $0xFFFFFE00  }
0x5d: {  	[tilespmem:s20], [sflag:$0x3] =	stream.linear.gather [hbm4b:s11+s29], $0x100, $0x38;
	[tilespmem:$0x1ED00] =	vst v63  }
0x5e: {  	s21 =	simm.s32 $0x14300  }
0x5f: {  	[tilespmem:s21], [sflag:$0x4] =	stream.linear.gather [hbm4b:s12+s29], $0x100, $0x38;
	[tilespmem:$0x1ED00] =	vst v63  }
0x60: {  	v3 =	vld [tilespmem:$0x14000]  }
0x61: {  	v4 =	vld [tilespmem:$0x14010]  }
0x62: {  	v5 =	vld [tilespmem:$0x14020]  }
0x63: {  	v6 =	vld [tilespmem:$0x14030]  }
0x64: {  	v7 =	vld [tilespmem:$0x14040]  }
0x65: {  	v8 =	vld [tilespmem:$0x14050];
	v3 =	vshll.u32 v3, $0x1  }
0x66: {  	v9 =	vld [tilespmem:$0x14060];
	v4 =	vshll.u32 v4, $0x1;
	v3 =	vor.u32 v0, v3  }
0x67: {  	v45 =	vld [tilespmem:$0x14070];
	v44 =	vshll.u32 v5, $0x1;
	[tilespmem:$0x14400] =	vst v3;
	v3 =	vor.u32 v0, v4  }
0x68: {  	v46 =	vshll.u32 v6, $0x1;
	[tilespmem:$0x14410] =	vst v3;
	v3 =	vor.u32 v0, v44  }
0x69: {  	v47 =	vshll.u32 v7, $0x1;
	[tilespmem:$0x14420] =	vst v3;
	v3 =	vor.u32 v0, v46  }
0x6a: {  	v48 =	vshll.u32 v8, $0x1;
	[tilespmem:$0x14430] =	vst v3;
	v3 =	vor.u32 v0, v47  }
0x6b: {  	v49 =	vshll.u32 v9, $0x1;
	[tilespmem:$0x14440] =	vst v3;
	v3 =	vor.u32 v0, v48  }
0x6c: {  	v50 =	vshll.u32 v45, $0x1;
	[tilespmem:$0x14450] =	vst v3;
	v3 =	vor.u32 v0, v49  }
0x6d: {  	[tilespmem:$0x14460] =	vst v3;
	v3 =	vor.u32 v0, v50  }
0x6e: {  	s23 =	simm.s32 $0x14400;
	[tilespmem:$0x14470] =	vst v3  }
0x6f: {  	[tilespmem:s17], [sflag:$0x1] =	stream.indirect.gather [hbm4b:s2+s22], $0x80, s23, s22, $0xb8;
	[tilespmem:$0x1ED00] =	vst v63  }
0x70: {  	v3 =	vld [tilespmem:$0x14100]  }
0x71: {  	v51 =	vld [tilespmem:$0x14110]  }
0x72: {  	v52 =	vld [tilespmem:$0x14120]  }
0x73: {  	v53 =	vld [tilespmem:$0x14130]  }
0x74: {  	v54 =	vld [tilespmem:$0x14140]  }
0x75: {  	v55 =	vld [tilespmem:$0x14150];
	v3 =	vshll.u32 v3, $0x1  }
0x76: {  	v56 =	vld [tilespmem:$0x14160];
	v4 =	vshll.u32 v51, $0x1;
	v3 =	vor.u32 v0, v3  }
0x77: {  	v58 =	vld [tilespmem:$0x14170];
	v57 =	vshll.u32 v52, $0x1;
	[tilespmem:$0x14480] =	vst v3;
	v3 =	vor.u32 v0, v4  }
0x78: {  	v59 =	vshll.u32 v53, $0x1;
	[tilespmem:$0x14490] =	vst v3;
	v3 =	vor.u32 v0, v57  }
0x79: {  	v60 =	vshll.u32 v54, $0x1;
	[tilespmem:$0x144A0] =	vst v3;
	v3 =	vor.u32 v0, v59  }
0x7a: {  	v61 =	vshll.u32 v55, $0x1;
	[tilespmem:$0x144B0] =	vst v3;
	v3 =	vor.u32 v0, v60  }
.Ltmp4:
0x7b: {  	v62 =	vshll.u32 v56, $0x1;
	[tilespmem:$0x144C0] =	vst v3;
	v3 =	vor.u32 v0, v61;
	(pc) =	sbr.rel .LBB2_6-.Ltmp4, $4  }
0x7c: {  	v63 =	vshll.u32 v58, $0x1;
	[tilespmem:$0x144D0] =	vst v3;
	v3 =	vor.u32 v0, v62  }
0x7d: {  	[tilespmem:$0x144E0] =	vst v3;
	v3 =	vor.u32 v0, v63  }
0x7e: {  	s24 =	simm.s32 $0x14480;
	s30 =	smov.u32 s16;
	s31 =	simm.s32 $0x0;
	[tilespmem:$0x144F0] =	vst v3  }
0x7f: {  	[tilespmem:s25], [sflag:$0x2] =	stream.indirect.gather [hbm4b:s2+s22], $0x80, s24, s22, $0xb8;
	[tilespmem:$0x1ED00] =	vst v63  }
.LBB2_8:
0x80: {  	s31 =	sadd.s32 $0x1, s31  }
0x81: {  	p1 =	sne.s32 s31, $0x50  }
.Ltmp5:
0x82: {  	_ = 	snop;
	(pc) =	sbr.rel @!p1 .LBB2_9-.Ltmp5, $2  }
0x83: {  	_ =	sdelay $0x2  }
0x84: {  	s30 =	sadd.s32 $0x20, s30;
	s29 =	sadd.s32 $0x100, s29  }
.LBB2_6:
0x85: {  	s0 =	sand.u32 $0x300, s29  }
0x86: {  	v3 =	vld [tilespmem:s0+$0x14080];
	_ =	sdelay $0x7  }
0x87: {  	[tilespmem:v3+s26+$0x0] =	vst.idx.add.f32.msk $0xffff, v2  }
0x88: {  	v3 =	vld [tilespmem:s0+$0x14090];
	_ =	sdelay $0x7  }
0x89: {  	[tilespmem:v3+s26+$0x0] =	vst.idx.add.f32.msk $0xffff, v2  }
0x8a: {  	v3 =	vld [tilespmem:s0+$0x140A0];
	_ =	sdelay $0x7  }
0x8b: {  	[tilespmem:v3+s26+$0x0] =	vst.idx.add.f32.msk $0xffff, v2  }
0x8c: {  	v3 =	vld [tilespmem:s0+$0x140B0];
	_ =	sdelay $0x7  }
0x8d: {  	[tilespmem:v3+s26+$0x0] =	vst.idx.add.f32.msk $0xffff, v2  }
0x8e: {  	v3 =	vld [tilespmem:s0+$0x140C0];
	_ =	sdelay $0x7  }
0x8f: {  	[tilespmem:v3+s26+$0x0] =	vst.idx.add.f32.msk $0xffff, v2  }
0x90: {  	v3 =	vld [tilespmem:s0+$0x140D0];
	_ =	sdelay $0x7  }
0x91: {  	[tilespmem:v3+s26+$0x0] =	vst.idx.add.f32.msk $0xffff, v2  }
0x92: {  	v3 =	vld [tilespmem:s0+$0x140E0];
	_ =	sdelay $0x7  }
0x93: {  	[tilespmem:v3+s26+$0x0] =	vst.idx.add.f32.msk $0xffff, v2  }
0x94: {  	v3 =	vld [tilespmem:s0+$0x140F0];
	_ =	sdelay $0x5  }
0x95: {  	s20 =	sand.u32 $0x1, s31  }
0x96: {  	p1 =	seq.s32 s20, $0x1  }
0x97: {  	s21 =	simm.s32 @!p1 $0x1;
	[tilespmem:v3+s26+$0x0] =	vst.idx.add.f32.msk $0xffff, v2  }
0x98: {  	_ =	swait.ge @!p1 [sflag:s21], $0x4000  }
0x99: {  	s19 =	sor.u32 $0x14080, s0;
	[sflag:s21] =	ssyncset.done @!p1 $0x0  }
0x9a: {  	s23 =	simm.s32 @!p1 $0x14500;
	[sflag:s21] =	ssyncadd.s32 @!p1 $0xFFFFC000;
	s21 =	simm.s32 @!p1 $0x80  }
0x9b: {  	[spmem:s3] =	stream.indirect.scatter.add.f32 @!p1 [tilespmem:s23], [sflag:$0x5], $0x80, s19, s21, $0xb8;
	[tilespmem:$0x1ED00] =	vst v63  }
0x9c: {  	s21 =	simm.s32 @!p1 $0x5  }
0x9d: {  	p2 =	sgt.u32 @!p1 s31, $0x4D;
	_ =	swait.ge @!p1 [sflag:s21], $0x4000  }
0x9e: {  	p3 =	por p2, p1;
	[sflag:s21] =	ssyncset.done @!p1 $0x0  }
0x9f: {  	s23 =	simm.s32 @!p3 $0x3;
	[sflag:s21] =	ssyncadd.s32 @!p1 $0xFFFFC000  }
0xa0: {  	s24 =	sand.u32 $0x3, s31;
	_ =	swait.ge @!p3 [sflag:s23], $0x100  }
0xa1: {  	s21 =	sxor.u32 $0x2, s24;
	[sflag:s23] =	ssyncset.done @!p3 $0x0  }
0xa2: {  	[sflag:s23] =	ssyncadd.s32 @!p3 $0xFFFFFF00;
	s23 =	sshll.u32 @!p3 s21, $0x8  }
0xa3: {  	v3 =	vld @!p3 [tilespmem:s23+$0x14000];
	_ =	sdelay $0x4  }
0xa4: {  	v3 =	vshll.u32 @!p3 v3, $0x1  }
0xa5: {  	v3 =	vor.u32 @!p3 v0, v3  }
0xa6: {  	[tilespmem:$0x14400] =	vst @!p3 v3  }
0xa7: {  	v3 =	vld @!p3 [tilespmem:s23+$0x14010];
	_ =	sdelay $0x4  }
0xa8: {  	v3 =	vshll.u32 @!p3 v3, $0x1  }
0xa9: {  	v3 =	vor.u32 @!p3 v0, v3  }
0xaa: {  	[tilespmem:$0x14410] =	vst @!p3 v3  }
0xab: {  	v3 =	vld @!p3 [tilespmem:s23+$0x14020];
	_ =	sdelay $0x4  }
0xac: {  	v3 =	vshll.u32 @!p3 v3, $0x1  }
0xad: {  	v3 =	vor.u32 @!p3 v0, v3  }
0xae: {  	[tilespmem:$0x14420] =	vst @!p3 v3  }
0xaf: {  	v3 =	vld @!p3 [tilespmem:s23+$0x14030];
	_ =	sdelay $0x4  }
0xb0: {  	v3 =	vshll.u32 @!p3 v3, $0x1  }
0xb1: {  	v3 =	vor.u32 @!p3 v0, v3  }
0xb2: {  	[tilespmem:$0x14430] =	vst @!p3 v3  }
0xb3: {  	v3 =	vld @!p3 [tilespmem:s23+$0x14040];
	_ =	sdelay $0x4  }
0xb4: {  	v3 =	vshll.u32 @!p3 v3, $0x1  }
0xb5: {  	v3 =	vor.u32 @!p3 v0, v3  }
0xb6: {  	[tilespmem:$0x14440] =	vst @!p3 v3  }
0xb7: {  	v3 =	vld @!p3 [tilespmem:s23+$0x14050];
	_ =	sdelay $0x4  }
0xb8: {  	v3 =	vshll.u32 @!p3 v3, $0x1  }
0xb9: {  	v3 =	vor.u32 @!p3 v0, v3  }
0xba: {  	[tilespmem:$0x14450] =	vst @!p3 v3  }
0xbb: {  	v3 =	vld @!p3 [tilespmem:s23+$0x14060];
	_ =	sdelay $0x4  }
0xbc: {  	v3 =	vshll.u32 @!p3 v3, $0x1  }
0xbd: {  	v3 =	vor.u32 @!p3 v0, v3  }
0xbe: {  	[tilespmem:$0x14460] =	vst @!p3 v3  }
0xbf: {  	v3 =	vld @!p3 [tilespmem:s23+$0x14070];
	_ =	sdelay $0x4  }
0xc0: {  	v3 =	vshll.u32 @!p3 v3, $0x1  }
0xc1: {  	v3 =	vor.u32 @!p3 v0, v3  }
0xc2: {  	s1 =	simm.s32 @!p3 $0x14500;
	s24 =	simm.s32 @!p3 $0x14400;
	s23 =	simm.s32 @!p3 $0x80;
	[tilespmem:$0x14470] =	vst @!p3 v3  }
0xc3: {  	[tilespmem:s1], [sflag:$0x1] =	stream.indirect.gather @!p3 [hbm4b:s2+s23], $0x80, s24, s23, $0xb8;
	[tilespmem:$0x1ED00] =	vst v63  }
0xc4: {  	p3 =	sgt.u32 @!p3 s31, $0x4B  }
0xc5: {  	p2 =	por @!p1 p3, p2  }
0xc6: {  	p2 =	por p2, p1  }
0xc7: {  	s0 =	sor.u32 $0x14000, s0;
	s1 =	simm.s32 @!p2 $0x0  }
0xc8: {  	[tilespmem:s0], [sflag:$0x3] =	stream.linear.gather @!p2 [hbm4b:s30+s1], $0x100, $0x38;
	[tilespmem:$0x1ED00] =	vst v63  }
0xc9: {  	p2 =	seq.s32 @!p1 s20, $0x0  }
0xca: {  	p1 =	por p1, !p2  }
.Ltmp6:
0xcb: {  	_ = 	snop;
	(pc) =	sbr.rel @!p1 .LBB2_8-.Ltmp6, $1  }
0xcc: {  	_ =	sdelay $0x3  }
0xcd: {  	_ =	swait.ge [sflag:s28], $0x4000  }
0xce: {  	[sflag:s28] =	ssyncset.done $0x0  }
0xcf: {  	[sflag:s28] =	ssyncadd.s32 $0xFFFFC000  }
0xd0: {  	[spmem:s3] =	stream.indirect.scatter.add.f32 [tilespmem:s25], [sflag:$0x5], $0x80, s19, s22, $0xb8;
	[tilespmem:$0x1ED00] =	vst v63  }
0xd1: {  	_ =	swait.ge [sflag:s18], $0x4000  }
0xd2: {  	p1 =	sgt.u32 s31, $0x4D;
	[sflag:s18] =	ssyncset.done $0x0  }
0xd3: {  	s1 =	simm.s32 @!p1 $0x4;
	[sflag:s18] =	ssyncadd.s32 $0xFFFFC000  }
0xd4: {  	_ =	swait.ge @!p1 [sflag:s1], $0x100  }
0xd5: {  	[sflag:s1] =	ssyncset.done @!p1 $0x0  }
0xd6: {  	[sflag:s1] =	ssyncadd.s32 @!p1 $0xFFFFFF00;
	s1 =	sshll.u32 @!p1 s21, $0x8  }
0xd7: {  	v3 =	vld @!p1 [tilespmem:s1+$0x14000];
	_ =	sdelay $0x4  }
0xd8: {  	v3 =	vshll.u32 @!p1 v3, $0x1  }
0xd9: {  	v3 =	vor.u32 @!p1 v0, v3  }
0xda: {  	[tilespmem:$0x14480] =	vst @!p1 v3  }
0xdb: {  	v3 =	vld @!p1 [tilespmem:s1+$0x14010];
	_ =	sdelay $0x4  }
0xdc: {  	v3 =	vshll.u32 @!p1 v3, $0x1  }
0xdd: {  	v3 =	vor.u32 @!p1 v0, v3  }
0xde: {  	[tilespmem:$0x14490] =	vst @!p1 v3  }
0xdf: {  	v3 =	vld @!p1 [tilespmem:s1+$0x14020];
	_ =	sdelay $0x4  }
0xe0: {  	v3 =	vshll.u32 @!p1 v3, $0x1  }
0xe1: {  	v3 =	vor.u32 @!p1 v0, v3  }
0xe2: {  	[tilespmem:$0x144A0] =	vst @!p1 v3  }
0xe3: {  	v3 =	vld @!p1 [tilespmem:s1+$0x14030];
	_ =	sdelay $0x4  }
0xe4: {  	v3 =	vshll.u32 @!p1 v3, $0x1  }
0xe5: {  	v3 =	vor.u32 @!p1 v0, v3  }
0xe6: {  	[tilespmem:$0x144B0] =	vst @!p1 v3  }
0xe7: {  	v3 =	vld @!p1 [tilespmem:s1+$0x14040];
	_ =	sdelay $0x4  }
0xe8: {  	v3 =	vshll.u32 @!p1 v3, $0x1  }
0xe9: {  	v3 =	vor.u32 @!p1 v0, v3  }
0xea: {  	[tilespmem:$0x144C0] =	vst @!p1 v3  }
0xeb: {  	v3 =	vld @!p1 [tilespmem:s1+$0x14050];
	_ =	sdelay $0x4  }
0xec: {  	v3 =	vshll.u32 @!p1 v3, $0x1  }
0xed: {  	v3 =	vor.u32 @!p1 v0, v3  }
0xee: {  	[tilespmem:$0x144D0] =	vst @!p1 v3  }
0xef: {  	v3 =	vld @!p1 [tilespmem:s1+$0x14060];
	_ =	sdelay $0x4  }
0xf0: {  	v3 =	vshll.u32 @!p1 v3, $0x1  }
0xf1: {  	v3 =	vor.u32 @!p1 v0, v3  }
0xf2: {  	[tilespmem:$0x144E0] =	vst @!p1 v3  }
0xf3: {  	v3 =	vld @!p1 [tilespmem:s1+$0x14070];
	_ =	sdelay $0x4  }
0xf4: {  	v3 =	vshll.u32 @!p1 v3, $0x1  }
0xf5: {  	s20 =	simm.s32 @!p1 $0x18500;
	p2 =	sgt.u32 @!p1 s31, $0x4B;
	v3 =	vor.u32 @!p1 v0, v3  }
.Ltmp7:
0xf6: {  	s19 =	simm.s32 @!p1 $0x14480;
	s1 =	simm.s32 @!p1 $0x80;
	[tilespmem:$0x144F0] =	vst @!p1 v3;
	(pc) =	sbr.rel .LBB2_8-.Ltmp7, $4  }
0xf7: {  	[tilespmem:s20], [sflag:$0x2] =	stream.indirect.gather @!p1 [hbm4b:s2+s1], $0x80, s19, s1, $0xb8;
	[tilespmem:$0x1ED00] =	vst v63  }
0xf8: {  	p1 =	por p2, p1  }
0xf9: {  	s1 =	simm.s32 @!p1 $0x0  }
0xfa: {  	[tilespmem:s0], [sflag:$0x4] =	stream.linear.gather @!p1 [hbm4b:s30+s1], $0x100, $0x38;
	[tilespmem:$0x1ED00] =	vst v63  }
.LBB2_10:
0xfb: {  	_ =	sfence.sel $0x180000  }
0xfc: {  	[bflag:$0x0] =	sbarrier.arrive $0xFFFF  }
0xfd: {  	_ =	strace $0x90000047  }
0xfe: {  	s0 =	stileid.u32;
	[bflag:$0x2] =	sbarrier.arrive $0xFFFF  }
0xff: {  	p0 =	sne.s32 s0, $0x0;
	s0 =	rddreg [dreg:$0x3]  }
0x100: {  	s0 =	sadd.s32 @!p0 $0x100000, s0  }
0x101: {  	[sflag:s0] =	ssyncadd.tile.s32 @!p0 $0x1;
	_ =	shalt  }
.Lfunc_end2:
_tile_overlayer_lowered:
.L_overlay_start_2:
0x102: {  	(tag) =	ssettag $0x2  }
0x103: {  	s0 =	rddreg [dreg:$0x0];
	s2 =	stileid.u32  }
0x104: {  	s1 =	rddreg [dreg:$0x1];
	p0 =	sne.s32 s2, $0x0  }
0x105: {  	s3 =	rddreg [dreg:$0x2];
	[bflag:$0x3] =	sbarrier.arrive $0xFFFF;
	s2 =	simm.s32 @!p0 $0x1C05  }
0x106: {  	[timem:s3], [sflag:s2] =	dma.local @!p0 [hbm:s0], s1  }
0x107: {  	s0 =	simm.s32 @!p0 $0x5  }
0x108: {  	_ =	swait.ge @!p0 [sflag:s0], s1  }
0x109: {  	s1 =	ssub.s32 @!p0 $0x0, s1;
	[sflag:s0] =	ssyncset.done @!p0 $0x0  }
0x10a: {  	[sflag:s0] =	ssyncadd.s32 @!p0 s1  }
0x10b: {  	[bflag:$0x3] =	sbarrier.arrive $0xFFFF  }
0x10c: {  	_ =	shalt  }

</sc_bundles>
